<compile_context>
chip_gen: v7x
topology: tpu7x:2x2x1
jax: 0.10.2.dev20260603
libtpu: 0.0.44.dev20260713+nightly
codegen_flags: <defaults>
</compile_context>

<pallas_src>
import functools

import jax
import jax.numpy as jnp
from jax import lax
from jax.experimental import pallas as pl
from jax.experimental.pallas import tpu as pltpu
from jax.experimental.pallas import tpu_sc as plsc

SEQ = 200
EMB = 64
PADDED = 128
BATCH = 1024
NC = 2
NS = 16
NW = NC * NS
SEQ_PER_W = BATCH // NW
HALF = SEQ // 2
LANES = 16
SCALE = 8.0
NBUF = 4


def _sc_embed(idx, tblv, pos_table):
    mesh = plsc.VectorSubcoreMesh(
        core_axis_name="c", subcore_axis_name="s", num_cores=NC, num_subcores=NS
    )

    @functools.partial(
        pl.kernel,
        mesh=mesh,
        compiler_params=pltpu.CompilerParams(use_tc_tiling_on_sc=False),
        out_type=jax.ShapeDtypeStruct((BATCH, SEQ, EMB), jnp.float32),
        scratch_types=[
            pltpu.VMEM((SEQ_PER_W, 2, HALF), jnp.int32),
            pltpu.VMEM((SEQ, EMB), jnp.float32),
        ]
        + [pltpu.VMEM((SEQ, EMB), jnp.float32) for _ in range(NBUF)]
        + [pltpu.SemaphoreType.DMA for _ in range(2 * NBUF)],
    )
    def k(idx_hbm, tok_hbm, pos_hbm, out_hbm, idx_v, pos_v, *rest):
        bufs = rest[:NBUF]
        gsem = rest[NBUF : 2 * NBUF]
        wsem = rest[2 * NBUF :]
        wid = lax.axis_index("s") * NC + lax.axis_index("c")
        base = wid * SEQ_PER_W
        pltpu.sync_copy(pos_hbm, pos_v)
        pltpu.sync_copy(idx_hbm.at[pl.ds(base, SEQ_PER_W)], idx_v)

        def start_gather(i, b):
            pltpu.async_copy(
                tok_hbm.at[idx_v.at[i, 0]], bufs[b].at[pl.ds(0, HALF)], gsem[b]
            )
            pltpu.async_copy(
                tok_hbm.at[idx_v.at[i, 1]], bufs[b].at[pl.ds(HALF, HALF)], gsem[b]
            )

        def wait_gather(b):
            pltpu.make_async_copy(out_hbm.at[0], bufs[b], gsem[b]).wait()

        def wait_wb(b):
            pltpu.make_async_copy(bufs[b], out_hbm.at[0], wsem[b]).wait()

        def compute(b):
            buf = bufs[b]

            def row_body(r, carry):
                for rr in range(4):
                    row = r * 4 + rr
                    for j in range(EMB // LANES):
                        sl = pl.ds(j * LANES, LANES)
                        buf[row, sl] = buf[row, sl] * SCALE + pos_v[row, sl]
                return carry

            lax.fori_loop(0, SEQ // 4, row_body, 0)

        for i in range(NBUF - 1):
            start_gather(i, i)

        def outer(o, carry):
            for phase in range(NBUF):
                i = NBUF * o + phase
                b = phase
                nb = (phase + NBUF - 1) % NBUF
                if phase == 0:
                    @pl.when(o >= 1)
                    def _():
                        wait_wb(nb)

                    start_gather(i + NBUF - 1, nb)
                else:
                    @pl.when(o <= SEQ_PER_W // NBUF - 2)
                    def _():
                        wait_wb(nb)
                        start_gather(i + NBUF - 1, nb)

                wait_gather(b)
                compute(b)
                pltpu.async_copy(bufs[b], out_hbm.at[base + i], wsem[b])
            return carry

        lax.fori_loop(0, SEQ_PER_W // NBUF, outer, 0)
        for b in range(NBUF):
            wait_wb(b)

    return k(idx, tblv, pos_table)


def kernel(inputs, token_table, pos_table):
    idx = (inputs.astype(jnp.int32) * 2).reshape(BATCH, 2, HALF)
    tbl128 = jnp.pad(token_table.astype(jnp.float32), ((0, 0), (0, PADDED - EMB)))
    tblv = tbl128.reshape(2 * 100000, EMB)
    return _sc_embed(idx, tblv, pos_table.astype(jnp.float32))

# --- scband reference (transcript-rebuilt; emitter-appended) ---
"""Pipeline reference for scband-positional-embedding-68478958567816 (READ-ONLY COPY).

The authoritative reference and input builder live on the scoring server;
editing this copy changes nothing except your own understanding.
"""

import jax, jax.numpy as jnp
import numpy as np

SEQ_LEN = 200
VOCAB = 100000
EMBED = 64
BATCH = 1024


def setup_inputs(seed: int = 0) -> dict:
    key = jax.random.key(seed)
    k1, k2, k3 = jax.random.split(key, 3)
    inputs = jax.random.randint(k1, (BATCH, SEQ_LEN), 0, VOCAB, dtype=jnp.int64 if jax.config.read('jax_enable_x64') else jnp.int32)
    token_table = jax.random.normal(k2, (VOCAB, EMBED), dtype=jnp.float32) * 0.02
    pos_table = jax.random.normal(k3, (SEQ_LEN, EMBED), dtype=jnp.float32) * 0.02
    return {"inputs": inputs, "token_table": token_table, "pos_table": pos_table}


def reference(inputs, token_table, pos_table):
    seq_len = inputs.shape[-1]
    scale = jnp.sqrt(jnp.asarray(token_table.shape[1], dtype=jnp.float32))
    positions = jnp.arange(seq_len)
    tok = jnp.take(token_table, inputs, axis=0)  # [B, S, D]
    pos = jnp.take(pos_table, positions, axis=0)  # [S, D]
    return tok * scale + pos[None, :, :]

if __name__ == "__main__":
    import jax
    _d = setup_inputs()
    print(jax.jit(kernel)(*tuple(_d.values())))

</pallas_src>

<mosaic_0001>
#map = affine_map<(d0, d1) -> (0, 0, 0)>
#map1 = affine_map<(d0, d1) -> (0, 0)>
module attributes {stable_mosaic.version = 14 : i64} {
  func.func @k(%arg0: i32, %arg1: i32, %arg2: memref<1024x2x100xi32, #tpu.memory_space<hbm>>, %arg3: memref<200000x64xf32, #tpu.memory_space<hbm>>, %arg4: memref<200x64xf32, #tpu.memory_space<hbm>>, %arg5: memref<1024x200x64xf32, #tpu.memory_space<hbm>>, %arg6: memref<32x2x100xi32, #tpu.memory_space<vmem>>, %arg7: memref<200x64xf32, #tpu.memory_space<vmem>>, %arg8: memref<200x64xf32, #tpu.memory_space<vmem>>, %arg9: memref<200x64xf32, #tpu.memory_space<vmem>>, %arg10: memref<200x64xf32, #tpu.memory_space<vmem>>, %arg11: memref<200x64xf32, #tpu.memory_space<vmem>>, %arg12: memref<!tpu.dma_semaphore, #tpu.memory_space<semaphore_mem>>, %arg13: memref<!tpu.dma_semaphore, #tpu.memory_space<semaphore_mem>>, %arg14: memref<!tpu.dma_semaphore, #tpu.memory_space<semaphore_mem>>, %arg15: memref<!tpu.dma_semaphore, #tpu.memory_space<semaphore_mem>>, %arg16: memref<!tpu.dma_semaphore, #tpu.memory_space<semaphore_mem>>, %arg17: memref<!tpu.dma_semaphore, #tpu.memory_space<semaphore_mem>>, %arg18: memref<!tpu.dma_semaphore, #tpu.memory_space<semaphore_mem>>, %arg19: memref<!tpu.dma_semaphore, #tpu.memory_space<semaphore_mem>>) attributes {dimension_semantics = [#tpu.dimension_semantics<core_parallel>, #tpu.dimension_semantics<subcore_parallel>], iteration_bounds = array<i64: 2, 16>, scalar_prefetch = 0 : i64, scratch_operands = 14 : i64, tpu.core_type = #tpu.core_type<sc_vector_subcore>, window_params = [{transform_indices = #map}, {transform_indices = #map1}, {transform_indices = #map1}, {transform_indices = #map}]} {
    %mul3A = arith.constant 2 : i32
    %mul3A_0 = arith.muli %arg1, %mul3A : i32
    %add3A = arith.addi %mul3A_0, %arg0 : i32
    %mul3A_1 = arith.constant 32 : i32
    %mul3A_2 = arith.muli %add3A, %mul3A_1 : i32
    "tpu.region"() ({
      %run_scoped3A = tpu.sem_alloc : memref<!tpu.dma_semaphore, #tpu.memory_space<semaphore_mem>>
      tpu.enqueue_dma source(%arg4 : memref<200x64xf32, #tpu.memory_space<hbm>>) target(%arg7 : memref<200x64xf32, #tpu.memory_space<vmem>>) target_semaphore(%run_scoped3A : memref<!tpu.dma_semaphore, #tpu.memory_space<semaphore_mem>>)
      tpu.wait_dma2 semaphore(%run_scoped3A : memref<!tpu.dma_semaphore, #tpu.memory_space<semaphore_mem>>) src(%arg4 : memref<200x64xf32, #tpu.memory_space<hbm>>) dst(%arg7 : memref<200x64xf32, #tpu.memory_space<vmem>>)
      tpu.yield
    }) : () -> ()
    "tpu.region"() ({
      %run_scoped3A = tpu.sem_alloc : memref<!tpu.dma_semaphore, #tpu.memory_space<semaphore_mem>>
      %dma_start3A_108 = arith.constant 0 : i32
      %dma_start3A_109 = arith.constant 0 : i32
      %dma_start3A_110 = tpu.memref_slice %arg2[%mul3A_2, %dma_start3A_108, %dma_start3A_109] : memref<1024x2x100xi32, #tpu.memory_space<hbm>> -> memref<32x2x100xi32, #tpu.memory_space<hbm>>
      %dma_start3A_111 = arith.constant 0 : i32
      %dma_start3A_112 = arith.constant 0 : i32
      %dma_start3A_113 = tpu.memref_slice %arg2[%mul3A_2, %dma_start3A_111, %dma_start3A_112] : memref<1024x2x100xi32, #tpu.memory_space<hbm>> -> memref<32x2x100xi32, #tpu.memory_space<hbm>>
      tpu.enqueue_dma source(%dma_start3A_113 : memref<32x2x100xi32, #tpu.memory_space<hbm>>) target(%arg6 : memref<32x2x100xi32, #tpu.memory_space<vmem>>) target_semaphore(%run_scoped3A : memref<!tpu.dma_semaphore, #tpu.memory_space<semaphore_mem>>)
      %dma_wait3A_114 = arith.constant 0 : i32
      %dma_wait3A_115 = arith.constant 0 : i32
      %dma_wait3A_116 = tpu.memref_slice %arg2[%mul3A_2, %dma_wait3A_114, %dma_wait3A_115] : memref<1024x2x100xi32, #tpu.memory_space<hbm>> -> memref<32x2x100xi32, #tpu.memory_space<hbm>>
      %dma_wait3A_117 = arith.constant 0 : i32
      %dma_wait3A_118 = arith.constant 0 : i32
      %dma_wait3A_119 = tpu.memref_slice %arg2[%mul3A_2, %dma_wait3A_117, %dma_wait3A_118] : memref<1024x2x100xi32, #tpu.memory_space<hbm>> -> memref<32x2x100xi32, #tpu.memory_space<hbm>>
      tpu.wait_dma2 semaphore(%run_scoped3A : memref<!tpu.dma_semaphore, #tpu.memory_space<semaphore_mem>>) src(%dma_wait3A_119 : memref<32x2x100xi32, #tpu.memory_space<hbm>>) dst(%arg6 : memref<32x2x100xi32, #tpu.memory_space<vmem>>)
      tpu.yield
    }) : () -> ()
    %dma_start3A = arith.constant 0 : i32
    %dma_start3A_3 = arith.constant 0 : i32
    %dma_start3A_4 = arith.constant 0 : i32
    %dma_start3A_5 = arith.constant 0 : i32
    %dma_start3A_6 = tpu.memref_slice %arg8[%dma_start3A_4, %dma_start3A_5] : memref<200x64xf32, #tpu.memory_space<vmem>> -> memref<100x64xf32, #tpu.memory_space<vmem>>
    %dma_start3A_7 = arith.constant 0 : i32
    %dma_start3A_8 = tpu.memref_slice %arg6[%dma_start3A, %dma_start3A_3, %dma_start3A_7] : memref<32x2x100xi32, #tpu.memory_space<vmem>> -> memref<1x1x100xi32, #tpu.memory_space<vmem>>
    %dma_start3A_9 = tpu.memref_squeeze %dma_start3A_8 : memref<1x1x100xi32, #tpu.memory_space<vmem>> -> memref<100xi32, #tpu.memory_space<vmem>>
    %dma_start3A_10 = arith.constant 0 : i32
    %dma_start3A_11 = arith.constant 0 : i32
    %dma_start3A_12 = tpu.memref_slice %arg3[%dma_start3A_10, %dma_start3A_11] : memref<200000x64xf32, #tpu.memory_space<hbm>> -> memref<200000x64xf32, #tpu.memory_space<hbm>>
    tpu.enqueue_indirect_dma source(%dma_start3A_12 : memref<200000x64xf32, #tpu.memory_space<hbm>>) target(%dma_start3A_6 : memref<100x64xf32, #tpu.memory_space<vmem>>) offsets(%dma_start3A_9 : memref<100xi32, #tpu.memory_space<vmem>>) semaphore(%arg12 : memref<!tpu.dma_semaphore, #tpu.memory_space<semaphore_mem>>)
    %dma_start3A_13 = arith.constant 0 : i32
    %dma_start3A_14 = arith.constant 1 : i32
    %dma_start3A_15 = arith.constant 100 : i32
    %dma_start3A_16 = arith.constant 0 : i32
    %dma_start3A_17 = tpu.memref_slice %arg8[%dma_start3A_15, %dma_start3A_16] : memref<200x64xf32, #tpu.memory_space<vmem>> -> memref<100x64xf32, #tpu.memory_space<vmem>>
    %dma_start3A_18 = arith.constant 0 : i32
    %dma_start3A_19 = tpu.memref_slice %arg6[%dma_start3A_13, %dma_start3A_14, %dma_start3A_18] : memref<32x2x100xi32, #tpu.memory_space<vmem>> -> memref<1x1x100xi32, #tpu.memory_space<vmem>>
    %dma_start3A_20 = tpu.memref_squeeze %dma_start3A_19 : memref<1x1x100xi32, #tpu.memory_space<vmem>> -> memref<100xi32, #tpu.memory_space<vmem>>
    %dma_start3A_21 = arith.constant 0 : i32
    %dma_start3A_22 = arith.constant 0 : i32
    %dma_start3A_23 = tpu.memref_slice %arg3[%dma_start3A_21, %dma_start3A_22] : memref<200000x64xf32, #tpu.memory_space<hbm>> -> memref<200000x64xf32, #tpu.memory_space<hbm>>
    tpu.enqueue_indirect_dma source(%dma_start3A_23 : memref<200000x64xf32, #tpu.memory_space<hbm>>) target(%dma_start3A_17 : memref<100x64xf32, #tpu.memory_space<vmem>>) offsets(%dma_start3A_20 : memref<100xi32, #tpu.memory_space<vmem>>) semaphore(%arg12 : memref<!tpu.dma_semaphore, #tpu.memory_space<semaphore_mem>>)
    %dma_start3A_24 = arith.constant 1 : i32
    %dma_start3A_25 = arith.constant 0 : i32
    %dma_start3A_26 = arith.constant 0 : i32
    %dma_start3A_27 = arith.constant 0 : i32
    %dma_start3A_28 = tpu.memref_slice %arg9[%dma_start3A_26, %dma_start3A_27] : memref<200x64xf32, #tpu.memory_space<vmem>> -> memref<100x64xf32, #tpu.memory_space<vmem>>
    %dma_start3A_29 = arith.constant 0 : i32
    %dma_start3A_30 = tpu.memref_slice %arg6[%dma_start3A_24, %dma_start3A_25, %dma_start3A_29] : memref<32x2x100xi32, #tpu.memory_space<vmem>> -> memref<1x1x100xi32, #tpu.memory_space<vmem>>
    %dma_start3A_31 = tpu.memref_squeeze %dma_start3A_30 : memref<1x1x100xi32, #tpu.memory_space<vmem>> -> memref<100xi32, #tpu.memory_space<vmem>>
    %dma_start3A_32 = arith.constant 0 : i32
    %dma_start3A_33 = arith.constant 0 : i32
    %dma_start3A_34 = tpu.memref_slice %arg3[%dma_start3A_32, %dma_start3A_33] : memref<200000x64xf32, #tpu.memory_space<hbm>> -> memref<200000x64xf32, #tpu.memory_space<hbm>>
    tpu.enqueue_indirect_dma source(%dma_start3A_34 : memref<200000x64xf32, #tpu.memory_space<hbm>>) target(%dma_start3A_28 : memref<100x64xf32, #tpu.memory_space<vmem>>) offsets(%dma_start3A_31 : memref<100xi32, #tpu.memory_space<vmem>>) semaphore(%arg13 : memref<!tpu.dma_semaphore, #tpu.memory_space<semaphore_mem>>)
    %dma_start3A_35 = arith.constant 1 : i32
    %dma_start3A_36 = arith.constant 1 : i32
    %dma_start3A_37 = arith.constant 100 : i32
    %dma_start3A_38 = arith.constant 0 : i32
    %dma_start3A_39 = tpu.memref_slice %arg9[%dma_start3A_37, %dma_start3A_38] : memref<200x64xf32, #tpu.memory_space<vmem>> -> memref<100x64xf32, #tpu.memory_space<vmem>>
    %dma_start3A_40 = arith.constant 0 : i32
    %dma_start3A_41 = tpu.memref_slice %arg6[%dma_start3A_35, %dma_start3A_36, %dma_start3A_40] : memref<32x2x100xi32, #tpu.memory_space<vmem>> -> memref<1x1x100xi32, #tpu.memory_space<vmem>>
    %dma_start3A_42 = tpu.memref_squeeze %dma_start3A_41 : memref<1x1x100xi32, #tpu.memory_space<vmem>> -> memref<100xi32, #tpu.memory_space<vmem>>
    %dma_start3A_43 = arith.constant 0 : i32
    %dma_start3A_44 = arith.constant 0 : i32
    %dma_start3A_45 = tpu.memref_slice %arg3[%dma_start3A_43, %dma_start3A_44] : memref<200000x64xf32, #tpu.memory_space<hbm>> -> memref<200000x64xf32, #tpu.memory_space<hbm>>
    tpu.enqueue_indirect_dma source(%dma_start3A_45 : memref<200000x64xf32, #tpu.memory_space<hbm>>) target(%dma_start3A_39 : memref<100x64xf32, #tpu.memory_space<vmem>>) offsets(%dma_start3A_42 : memref<100xi32, #tpu.memory_space<vmem>>) semaphore(%arg13 : memref<!tpu.dma_semaphore, #tpu.memory_space<semaphore_mem>>)
    %dma_start3A_46 = arith.constant 2 : i32
    %dma_start3A_47 = arith.constant 0 : i32
    %dma_start3A_48 = arith.constant 0 : i32
    %dma_start3A_49 = arith.constant 0 : i32
    %dma_start3A_50 = tpu.memref_slice %arg10[%dma_start3A_48, %dma_start3A_49] : memref<200x64xf32, #tpu.memory_space<vmem>> -> memref<100x64xf32, #tpu.memory_space<vmem>>
    %dma_start3A_51 = arith.constant 0 : i32
    %dma_start3A_52 = tpu.memref_slice %arg6[%dma_start3A_46, %dma_start3A_47, %dma_start3A_51] : memref<32x2x100xi32, #tpu.memory_space<vmem>> -> memref<1x1x100xi32, #tpu.memory_space<vmem>>
    %dma_start3A_53 = tpu.memref_squeeze %dma_start3A_52 : memref<1x1x100xi32, #tpu.memory_space<vmem>> -> memref<100xi32, #tpu.memory_space<vmem>>
    %dma_start3A_54 = arith.constant 0 : i32
    %dma_start3A_55 = arith.constant 0 : i32
    %dma_start3A_56 = tpu.memref_slice %arg3[%dma_start3A_54, %dma_start3A_55] : memref<200000x64xf32, #tpu.memory_space<hbm>> -> memref<200000x64xf32, #tpu.memory_space<hbm>>
    tpu.enqueue_indirect_dma source(%dma_start3A_56 : memref<200000x64xf32, #tpu.memory_space<hbm>>) target(%dma_start3A_50 : memref<100x64xf32, #tpu.memory_space<vmem>>) offsets(%dma_start3A_53 : memref<100xi32, #tpu.memory_space<vmem>>) semaphore(%arg14 : memref<!tpu.dma_semaphore, #tpu.memory_space<semaphore_mem>>)
    %dma_start3A_57 = arith.constant 2 : i32
    %dma_start3A_58 = arith.constant 1 : i32
    %dma_start3A_59 = arith.constant 100 : i32
    %dma_start3A_60 = arith.constant 0 : i32
    %dma_start3A_61 = tpu.memref_slice %arg10[%dma_start3A_59, %dma_start3A_60] : memref<200x64xf32, #tpu.memory_space<vmem>> -> memref<100x64xf32, #tpu.memory_space<vmem>>
    %dma_start3A_62 = arith.constant 0 : i32
    %dma_start3A_63 = tpu.memref_slice %arg6[%dma_start3A_57, %dma_start3A_58, %dma_start3A_62] : memref<32x2x100xi32, #tpu.memory_space<vmem>> -> memref<1x1x100xi32, #tpu.memory_space<vmem>>
    %dma_start3A_64 = tpu.memref_squeeze %dma_start3A_63 : memref<1x1x100xi32, #tpu.memory_space<vmem>> -> memref<100xi32, #tpu.memory_space<vmem>>
    %dma_start3A_65 = arith.constant 0 : i32
    %dma_start3A_66 = arith.constant 0 : i32
    %dma_start3A_67 = tpu.memref_slice %arg3[%dma_start3A_65, %dma_start3A_66] : memref<200000x64xf32, #tpu.memory_space<hbm>> -> memref<200000x64xf32, #tpu.memory_space<hbm>>
    tpu.enqueue_indirect_dma source(%dma_start3A_67 : memref<200000x64xf32, #tpu.memory_space<hbm>>) target(%dma_start3A_61 : memref<100x64xf32, #tpu.memory_space<vmem>>) offsets(%dma_start3A_64 : memref<100xi32, #tpu.memory_space<vmem>>) semaphore(%arg14 : memref<!tpu.dma_semaphore, #tpu.memory_space<semaphore_mem>>)
    %scan3A = arith.constant 0 : i32
    %scan3A_68 = arith.constant 0 : i32
    %scan3A_69 = arith.constant 8 : i32
    %scan3A_70 = arith.addi %scan3A_68, %scan3A_69 : i32
    %scan3A_71 = arith.constant 1 : i32
    scf.for %scan3A_108 = %scan3A_68 to %scan3A_70 step %scan3A_71  : i32 {
      %mul3A_109 = arith.constant 4 : i32
      %mul3A_110 = arith.muli %mul3A_109, %scan3A_108 : i32
      %add3A_111 = arith.constant 0 : i32
      %add3A_112 = arith.addi %mul3A_110, %add3A_111 : i32
      %ge3A = arith.constant 1 : i32
      %ge3A_113 = arith.cmpi sge, %scan3A_108, %ge3A : i32
      %convert_element_type3A = arith.extui %ge3A_113 : i1 to i32
      %cond3A = arith.constant 0 : i32
      %cond3A_114 = arith.cmpi ne, %convert_element_type3A, %cond3A : i32
      scf.if %cond3A_114 {
        %dma_wait3A_260 = arith.constant 0 : i32
        %dma_wait3A_261 = arith.constant 0 : i32
        %dma_wait3A_262 = arith.constant 0 : i32
        %dma_wait3A_263 = tpu.memref_slice %arg5[%dma_wait3A_260, %dma_wait3A_261, %dma_wait3A_262] : memref<1024x200x64xf32, #tpu.memory_space<hbm>> -> memref<1x200x64xf32, #tpu.memory_space<hbm>>
        %dma_wait3A_264 = tpu.memref_squeeze %dma_wait3A_263 : memref<1x200x64xf32, #tpu.memory_space<hbm>> -> memref<200x64xf32, #tpu.memory_space<hbm>>
        %dma_wait3A_265 = arith.constant 0 : i32
        %dma_wait3A_266 = arith.constant 0 : i32
        %dma_wait3A_267 = tpu.memref_slice %arg5[%dma_wait3A_260, %dma_wait3A_265, %dma_wait3A_266] : memref<1024x200x64xf32, #tpu.memory_space<hbm>> -> memref<1x200x64xf32, #tpu.memory_space<hbm>>
        %dma_wait3A_268 = tpu.memref_squeeze %dma_wait3A_267 : memref<1x200x64xf32, #tpu.memory_space<hbm>> -> memref<200x64xf32, #tpu.memory_space<hbm>>
        tpu.wait_dma2 semaphore(%arg19 : memref<!tpu.dma_semaphore, #tpu.memory_space<semaphore_mem>>) src(%arg11 : memref<200x64xf32, #tpu.memory_space<vmem>>) dst(%dma_wait3A_268 : memref<200x64xf32, #tpu.memory_space<hbm>>)
      } else {
      }
      %add3A_115 = arith.constant 4 : i32
      %add3A_116 = arith.addi %add3A_112, %add3A_115 : i32
      %sub3A = arith.constant 1 : i32
      %sub3A_117 = arith.subi %add3A_116, %sub3A : i32
      %dma_start3A_118 = arith.constant 0 : i32
      %dma_start3A_119 = arith.constant 0 : i32
      %dma_start3A_120 = arith.constant 0 : i32
      %dma_start3A_121 = tpu.memref_slice %arg11[%dma_start3A_119, %dma_start3A_120] : memref<200x64xf32, #tpu.memory_space<vmem>> -> memref<100x64xf32, #tpu.memory_space<vmem>>
      %dma_start3A_122 = arith.constant 0 : i32
      %dma_start3A_123 = tpu.memref_slice %arg6[%sub3A_117, %dma_start3A_118, %dma_start3A_122] : memref<32x2x100xi32, #tpu.memory_space<vmem>> -> memref<1x1x100xi32, #tpu.memory_space<vmem>>
      %dma_start3A_124 = tpu.memref_squeeze %dma_start3A_123 : memref<1x1x100xi32, #tpu.memory_space<vmem>> -> memref<100xi32, #tpu.memory_space<vmem>>
      %dma_start3A_125 = arith.constant 0 : i32
      %dma_start3A_126 = arith.constant 0 : i32
      %dma_start3A_127 = tpu.memref_slice %arg3[%dma_start3A_125, %dma_start3A_126] : memref<200000x64xf32, #tpu.memory_space<hbm>> -> memref<200000x64xf32, #tpu.memory_space<hbm>>
      tpu.enqueue_indirect_dma source(%dma_start3A_127 : memref<200000x64xf32, #tpu.memory_space<hbm>>) target(%dma_start3A_121 : memref<100x64xf32, #tpu.memory_space<vmem>>) offsets(%dma_start3A_124 : memref<100xi32, #tpu.memory_space<vmem>>) semaphore(%arg15 : memref<!tpu.dma_semaphore, #tpu.memory_space<semaphore_mem>>)
      %dma_start3A_128 = arith.constant 1 : i32
      %dma_start3A_129 = arith.constant 100 : i32
      %dma_start3A_130 = arith.constant 0 : i32
      %dma_start3A_131 = tpu.memref_slice %arg11[%dma_start3A_129, %dma_start3A_130] : memref<200x64xf32, #tpu.memory_space<vmem>> -> memref<100x64xf32, #tpu.memory_space<vmem>>
      %dma_start3A_132 = arith.constant 0 : i32
      %dma_start3A_133 = tpu.memref_slice %arg6[%sub3A_117, %dma_start3A_128, %dma_start3A_132] : memref<32x2x100xi32, #tpu.memory_space<vmem>> -> memref<1x1x100xi32, #tpu.memory_space<vmem>>
      %dma_start3A_134 = tpu.memref_squeeze %dma_start3A_133 : memref<1x1x100xi32, #tpu.memory_space<vmem>> -> memref<100xi32, #tpu.memory_space<vmem>>
      %dma_start3A_135 = arith.constant 0 : i32
      %dma_start3A_136 = arith.constant 0 : i32
      %dma_start3A_137 = tpu.memref_slice %arg3[%dma_start3A_135, %dma_start3A_136] : memref<200000x64xf32, #tpu.memory_space<hbm>> -> memref<200000x64xf32, #tpu.memory_space<hbm>>
      tpu.enqueue_indirect_dma source(%dma_start3A_137 : memref<200000x64xf32, #tpu.memory_space<hbm>>) target(%dma_start3A_131 : memref<100x64xf32, #tpu.memory_space<vmem>>) offsets(%dma_start3A_134 : memref<100xi32, #tpu.memory_space<vmem>>) semaphore(%arg15 : memref<!tpu.dma_semaphore, #tpu.memory_space<semaphore_mem>>)
      %dma_wait3A_138 = arith.constant 0 : i32
      %dma_wait3A_139 = arith.constant 0 : i32
      %dma_wait3A_140 = arith.constant 0 : i32
      %dma_wait3A_141 = tpu.memref_slice %arg5[%dma_wait3A_138, %dma_wait3A_139, %dma_wait3A_140] : memref<1024x200x64xf32, #tpu.memory_space<hbm>> -> memref<1x200x64xf32, #tpu.memory_space<hbm>>
      %dma_wait3A_142 = tpu.memref_squeeze %dma_wait3A_141 : memref<1x200x64xf32, #tpu.memory_space<hbm>> -> memref<200x64xf32, #tpu.memory_space<hbm>>
      %dma_wait3A_143 = arith.constant 0 : i32
      %dma_wait3A_144 = arith.constant 0 : i32
      %dma_wait3A_145 = tpu.memref_slice %arg5[%dma_wait3A_138, %dma_wait3A_143, %dma_wait3A_144] : memref<1024x200x64xf32, #tpu.memory_space<hbm>> -> memref<1x200x64xf32, #tpu.memory_space<hbm>>
      %dma_wait3A_146 = tpu.memref_squeeze %dma_wait3A_145 : memref<1x200x64xf32, #tpu.memory_space<hbm>> -> memref<200x64xf32, #tpu.memory_space<hbm>>
      tpu.wait_dma2 semaphore(%arg12 : memref<!tpu.dma_semaphore, #tpu.memory_space<semaphore_mem>>) src(%dma_wait3A_146 : memref<200x64xf32, #tpu.memory_space<hbm>>) dst(%arg8 : memref<200x64xf32, #tpu.memory_space<vmem>>)
      %scan3A_147 = arith.constant 0 : i32
      %scan3A_148 = arith.constant 0 : i32
      %scan3A_149 = arith.constant 50 : i32
      %scan3A_150 = arith.addi %scan3A_148, %scan3A_149 : i32
      %scan3A_151 = arith.constant 1 : i32
      scf.for %scan3A_260 = %scan3A_148 to %scan3A_150 step %scan3A_151  : i32 {
        %mul3A_261 = arith.constant 4 : i32
        %mul3A_262 = arith.muli %scan3A_260, %mul3A_261 : i32
        %add3A_263 = arith.constant 0 : i32
        %add3A_264 = arith.addi %mul3A_262, %add3A_263 : i32
        %get3A = arith.index_cast %add3A_264 : i32 to index
        %get3A_265 = arith.constant 0 : index
        %get3A_266 = tpu.vector_load %arg8[%get3A, %get3A_265] {strides = array<i32>} : memref<200x64xf32, #tpu.memory_space<vmem>>, vector<1x16xf32>,
        %get3A_267 = vector.shape_cast %get3A_266 : vector<1x16xf32> to vector<16xf32>
        %mul3A_268 = arith.constant 8.000000e+00 : f32
        %mul3A_269 = vector.broadcast %mul3A_268 : f32 to vector<16xf32>
        %mul3A_270 = arith.mulf %get3A_267, %mul3A_269 : vector<16xf32>
        %get3A_271 = arith.index_cast %add3A_264 : i32 to index
        %get3A_272 = arith.constant 0 : index
        %get3A_273 = tpu.vector_load %arg7[%get3A_271, %get3A_272] {strides = array<i32>} : memref<200x64xf32, #tpu.memory_space<vmem>>, vector<1x16xf32>,
        %get3A_274 = vector.shape_cast %get3A_273 : vector<1x16xf32> to vector<16xf32>
        %add3A_275 = arith.addf %mul3A_270, %get3A_274 : vector<16xf32>
        %swap3A = arith.index_cast %add3A_264 : i32 to index
        %swap3A_276 = arith.constant 0 : index
        %swap3A_277 = tpu.vector_load %arg8[%swap3A, %swap3A_276] {strides = array<i32>} : memref<200x64xf32, #tpu.memory_space<vmem>>, vector<1x16xf32>,
        %swap3A_278 = vector.shape_cast %swap3A_277 : vector<1x16xf32> to vector<16xf32>
        %swap3A_279 = vector.shape_cast %add3A_275 : vector<16xf32> to vector<1x16xf32>
        tpu.vector_store %arg8[%swap3A, %swap3A_276], %swap3A_279 {strides = array<i32>} : memref<200x64xf32, #tpu.memory_space<vmem>>, vector<1x16xf32>,
        %get3A_280 = arith.index_cast %add3A_264 : i32 to index
        %get3A_281 = arith.constant 16 : index
        %get3A_282 = tpu.vector_load %arg8[%get3A_280, %get3A_281] {strides = array<i32>} : memref<200x64xf32, #tpu.memory_space<vmem>>, vector<1x16xf32>,
        %get3A_283 = vector.shape_cast %get3A_282 : vector<1x16xf32> to vector<16xf32>
        %mul3A_284 = arith.constant 8.000000e+00 : f32
        %mul3A_285 = vector.broadcast %mul3A_284 : f32 to vector<16xf32>
        %mul3A_286 = arith.mulf %get3A_283, %mul3A_285 : vector<16xf32>
        %get3A_287 = arith.index_cast %add3A_264 : i32 to index
        %get3A_288 = arith.constant 16 : index
        %get3A_289 = tpu.vector_load %arg7[%get3A_287, %get3A_288] {strides = array<i32>} : memref<200x64xf32, #tpu.memory_space<vmem>>, vector<1x16xf32>,
        %get3A_290 = vector.shape_cast %get3A_289 : vector<1x16xf32> to vector<16xf32>
        %add3A_291 = arith.addf %mul3A_286, %get3A_290 : vector<16xf32>
        %swap3A_292 = arith.index_cast %add3A_264 : i32 to index
        %swap3A_293 = arith.constant 16 : index
        %swap3A_294 = tpu.vector_load %arg8[%swap3A_292, %swap3A_293] {strides = array<i32>} : memref<200x64xf32, #tpu.memory_space<vmem>>, vector<1x16xf32>,
        %swap3A_295 = vector.shape_cast %swap3A_294 : vector<1x16xf32> to vector<16xf32>
        %swap3A_296 = vector.shape_cast %add3A_291 : vector<16xf32> to vector<1x16xf32>
        tpu.vector_store %arg8[%swap3A_292, %swap3A_293], %swap3A_296 {strides = array<i32>} : memref<200x64xf32, #tpu.memory_space<vmem>>, vector<1x16xf32>,
        %get3A_297 = arith.index_cast %add3A_264 : i32 to index
        %get3A_298 = arith.constant 32 : index
        %get3A_299 = tpu.vector_load %arg8[%get3A_297, %get3A_298] {strides = array<i32>} : memref<200x64xf32, #tpu.memory_space<vmem>>, vector<1x16xf32>,
        %get3A_300 = vector.shape_cast %get3A_299 : vector<1x16xf32> to vector<16xf32>
        %mul3A_301 = arith.constant 8.000000e+00 : f32
        %mul3A_302 = vector.broadcast %mul3A_301 : f32 to vector<16xf32>
        %mul3A_303 = arith.mulf %get3A_300, %mul3A_302 : vector<16xf32>
        %get3A_304 = arith.index_cast %add3A_264 : i32 to index
        %get3A_305 = arith.constant 32 : index
        %get3A_306 = tpu.vector_load %arg7[%get3A_304, %get3A_305] {strides = array<i32>} : memref<200x64xf32, #tpu.memory_space<vmem>>, vector<1x16xf32>,
        %get3A_307 = vector.shape_cast %get3A_306 : vector<1x16xf32> to vector<16xf32>
        %add3A_308 = arith.addf %mul3A_303, %get3A_307 : vector<16xf32>
        %swap3A_309 = arith.index_cast %add3A_264 : i32 to index
        %swap3A_310 = arith.constant 32 : index
        %swap3A_311 = tpu.vector_load %arg8[%swap3A_309, %swap3A_310] {strides = array<i32>} : memref<200x64xf32, #tpu.memory_space<vmem>>, vector<1x16xf32>,
        %swap3A_312 = vector.shape_cast %swap3A_311 : vector<1x16xf32> to vector<16xf32>
        %swap3A_313 = vector.shape_cast %add3A_308 : vector<16xf32> to vector<1x16xf32>
        tpu.vector_store %arg8[%swap3A_309, %swap3A_310], %swap3A_313 {strides = array<i32>} : memref<200x64xf32, #tpu.memory_space<vmem>>, vector<1x16xf32>,
        %get3A_314 = arith.index_cast %add3A_264 : i32 to index
        %get3A_315 = arith.constant 48 : index
        %get3A_316 = tpu.vector_load %arg8[%get3A_314, %get3A_315] {strides = array<i32>} : memref<200x64xf32, #tpu.memory_space<vmem>>, vector<1x16xf32>,
        %get3A_317 = vector.shape_cast %get3A_316 : vector<1x16xf32> to vector<16xf32>
        %mul3A_318 = arith.constant 8.000000e+00 : f32
        %mul3A_319 = vector.broadcast %mul3A_318 : f32 to vector<16xf32>
        %mul3A_320 = arith.mulf %get3A_317, %mul3A_319 : vector<16xf32>
        %get3A_321 = arith.index_cast %add3A_264 : i32 to index
        %get3A_322 = arith.constant 48 : index
        %get3A_323 = tpu.vector_load %arg7[%get3A_321, %get3A_322] {strides = array<i32>} : memref<200x64xf32, #tpu.memory_space<vmem>>, vector<1x16xf32>,
        %get3A_324 = vector.shape_cast %get3A_323 : vector<1x16xf32> to vector<16xf32>
        %add3A_325 = arith.addf %mul3A_320, %get3A_324 : vector<16xf32>
        %swap3A_326 = arith.index_cast %add3A_264 : i32 to index
        %swap3A_327 = arith.constant 48 : index
        %swap3A_328 = tpu.vector_load %arg8[%swap3A_326, %swap3A_327] {strides = array<i32>} : memref<200x64xf32, #tpu.memory_space<vmem>>, vector<1x16xf32>,
        %swap3A_329 = vector.shape_cast %swap3A_328 : vector<1x16xf32> to vector<16xf32>
        %swap3A_330 = vector.shape_cast %add3A_325 : vector<16xf32> to vector<1x16xf32>
        tpu.vector_store %arg8[%swap3A_326, %swap3A_327], %swap3A_330 {strides = array<i32>} : memref<200x64xf32, #tpu.memory_space<vmem>>, vector<1x16xf32>,
        %mul3A_331 = arith.constant 4 : i32
        %mul3A_332 = arith.muli %scan3A_260, %mul3A_331 : i32
        %add3A_333 = arith.constant 1 : i32
        %add3A_334 = arith.addi %mul3A_332, %add3A_333 : i32
        %get3A_335 = arith.index_cast %add3A_334 : i32 to index
        %get3A_336 = arith.constant 0 : index
        %get3A_337 = tpu.vector_load %arg8[%get3A_335, %get3A_336] {strides = array<i32>} : memref<200x64xf32, #tpu.memory_space<vmem>>, vector<1x16xf32>,
        %get3A_338 = vector.shape_cast %get3A_337 : vector<1x16xf32> to vector<16xf32>
        %mul3A_339 = arith.constant 8.000000e+00 : f32
        %mul3A_340 = vector.broadcast %mul3A_339 : f32 to vector<16xf32>
        %mul3A_341 = arith.mulf %get3A_338, %mul3A_340 : vector<16xf32>
        %get3A_342 = arith.index_cast %add3A_334 : i32 to index
        %get3A_343 = arith.constant 0 : index
        %get3A_344 = tpu.vector_load %arg7[%get3A_342, %get3A_343] {strides = array<i32>} : memref<200x64xf32, #tpu.memory_space<vmem>>, vector<1x16xf32>,
        %get3A_345 = vector.shape_cast %get3A_344 : vector<1x16xf32> to vector<16xf32>
        %add3A_346 = arith.addf %mul3A_341, %get3A_345 : vector<16xf32>
        %swap3A_347 = arith.index_cast %add3A_334 : i32 to index
        %swap3A_348 = arith.constant 0 : index
        %swap3A_349 = tpu.vector_load %arg8[%swap3A_347, %swap3A_348] {strides = array<i32>} : memref<200x64xf32, #tpu.memory_space<vmem>>, vector<1x16xf32>,
        %swap3A_350 = vector.shape_cast %swap3A_349 : vector<1x16xf32> to vector<16xf32>
        %swap3A_351 = vector.shape_cast %add3A_346 : vector<16xf32> to vector<1x16xf32>
        tpu.vector_store %arg8[%swap3A_347, %swap3A_348], %swap3A_351 {strides = array<i32>} : memref<200x64xf32, #tpu.memory_space<vmem>>, vector<1x16xf32>,
        %get3A_352 = arith.index_cast %add3A_334 : i32 to index
        %get3A_353 = arith.constant 16 : index
        %get3A_354 = tpu.vector_load %arg8[%get3A_352, %get3A_353] {strides = array<i32>} : memref<200x64xf32, #tpu.memory_space<vmem>>, vector<1x16xf32>,
        %get3A_355 = vector.shape_cast %get3A_354 : vector<1x16xf32> to vector<16xf32>
        %mul3A_356 = arith.constant 8.000000e+00 : f32
        %mul3A_357 = vector.broadcast %mul3A_356 : f32 to vector<16xf32>
        %mul3A_358 = arith.mulf %get3A_355, %mul3A_357 : vector<16xf32>
        %get3A_359 = arith.index_cast %add3A_334 : i32 to index
        %get3A_360 = arith.constant 16 : index
        %get3A_361 = tpu.vector_load %arg7[%get3A_359, %get3A_360] {strides = array<i32>} : memref<200x64xf32, #tpu.memory_space<vmem>>, vector<1x16xf32>,
        %get3A_362 = vector.shape_cast %get3A_361 : vector<1x16xf32> to vector<16xf32>
        %add3A_363 = arith.addf %mul3A_358, %get3A_362 : vector<16xf32>
        %swap3A_364 = arith.index_cast %add3A_334 : i32 to index
        %swap3A_365 = arith.constant 16 : index
        %swap3A_366 = tpu.vector_load %arg8[%swap3A_364, %swap3A_365] {strides = array<i32>} : memref<200x64xf32, #tpu.memory_space<vmem>>, vector<1x16xf32>,
        %swap3A_367 = vector.shape_cast %swap3A_366 : vector<1x16xf32> to vector<16xf32>
        %swap3A_368 = vector.shape_cast %add3A_363 : vector<16xf32> to vector<1x16xf32>
        tpu.vector_store %arg8[%swap3A_364, %swap3A_365], %swap3A_368 {strides = array<i32>} : memref<200x64xf32, #tpu.memory_space<vmem>>, vector<1x16xf32>,
        %get3A_369 = arith.index_cast %add3A_334 : i32 to index
        %get3A_370 = arith.constant 32 : index
        %get3A_371 = tpu.vector_load %arg8[%get3A_369, %get3A_370] {strides = array<i32>} : memref<200x64xf32, #tpu.memory_space<vmem>>, vector<1x16xf32>,
        %get3A_372 = vector.shape_cast %get3A_371 : vector<1x16xf32> to vector<16xf32>
        %mul3A_373 = arith.constant 8.000000e+00 : f32
        %mul3A_374 = vector.broadcast %mul3A_373 : f32 to vector<16xf32>
        %mul3A_375 = arith.mulf %get3A_372, %mul3A_374 : vector<16xf32>
        %get3A_376 = arith.index_cast %add3A_334 : i32 to index
        %get3A_377 = arith.constant 32 : index
        %get3A_378 = tpu.vector_load %arg7[%get3A_376, %get3A_377] {strides = array<i32>} : memref<200x64xf32, #tpu.memory_space<vmem>>, vector<1x16xf32>,
        %get3A_379 = vector.shape_cast %get3A_378 : vector<1x16xf32> to vector<16xf32>
        %add3A_380 = arith.addf %mul3A_375, %get3A_379 : vector<16xf32>
        %swap3A_381 = arith.index_cast %add3A_334 : i32 to index
        %swap3A_382 = arith.constant 32 : index
        %swap3A_383 = tpu.vector_load %arg8[%swap3A_381, %swap3A_382] {strides = array<i32>} : memref<200x64xf32, #tpu.memory_space<vmem>>, vector<1x16xf32>,
        %swap3A_384 = vector.shape_cast %swap3A_383 : vector<1x16xf32> to vector<16xf32>
        %swap3A_385 = vector.shape_cast %add3A_380 : vector<16xf32> to vector<1x16xf32>
        tpu.vector_store %arg8[%swap3A_381, %swap3A_382], %swap3A_385 {strides = array<i32>} : memref<200x64xf32, #tpu.memory_space<vmem>>, vector<1x16xf32>,
        %get3A_386 = arith.index_cast %add3A_334 : i32 to index
        %get3A_387 = arith.constant 48 : index
        %get3A_388 = tpu.vector_load %arg8[%get3A_386, %get3A_387] {strides = array<i32>} : memref<200x64xf32, #tpu.memory_space<vmem>>, vector<1x16xf32>,
        %get3A_389 = vector.shape_cast %get3A_388 : vector<1x16xf32> to vector<16xf32>
        %mul3A_390 = arith.constant 8.000000e+00 : f32
        %mul3A_391 = vector.broadcast %mul3A_390 : f32 to vector<16xf32>
        %mul3A_392 = arith.mulf %get3A_389, %mul3A_391 : vector<16xf32>
        %get3A_393 = arith.index_cast %add3A_334 : i32 to index
        %get3A_394 = arith.constant 48 : index
        %get3A_395 = tpu.vector_load %arg7[%get3A_393, %get3A_394] {strides = array<i32>} : memref<200x64xf32, #tpu.memory_space<vmem>>, vector<1x16xf32>,
        %get3A_396 = vector.shape_cast %get3A_395 : vector<1x16xf32> to vector<16xf32>
        %add3A_397 = arith.addf %mul3A_392, %get3A_396 : vector<16xf32>
        %swap3A_398 = arith.index_cast %add3A_334 : i32 to index
        %swap3A_399 = arith.constant 48 : index
        %swap3A_400 = tpu.vector_load %arg8[%swap3A_398, %swap3A_399] {strides = array<i32>} : memref<200x64xf32, #tpu.memory_space<vmem>>, vector<1x16xf32>,
        %swap3A_401 = vector.shape_cast %swap3A_400 : vector<1x16xf32> to vector<16xf32>
        %swap3A_402 = vector.shape_cast %add3A_397 : vector<16xf32> to vector<1x16xf32>
        tpu.vector_store %arg8[%swap3A_398, %swap3A_399], %swap3A_402 {strides = array<i32>} : memref<200x64xf32, #tpu.memory_space<vmem>>, vector<1x16xf32>,
        %mul3A_403 = arith.constant 4 : i32
        %mul3A_404 = arith.muli %scan3A_260, %mul3A_403 : i32
        %add3A_405 = arith.constant 2 : i32
        %add3A_406 = arith.addi %mul3A_404, %add3A_405 : i32
        %get3A_407 = arith.index_cast %add3A_406 : i32 to index
        %get3A_408 = arith.constant 0 : index
        %get3A_409 = tpu.vector_load %arg8[%get3A_407, %get3A_408] {strides = array<i32>} : memref<200x64xf32, #tpu.memory_space<vmem>>, vector<1x16xf32>,
        %get3A_410 = vector.shape_cast %get3A_409 : vector<1x16xf32> to vector<16xf32>
        %mul3A_411 = arith.constant 8.000000e+00 : f32
        %mul3A_412 = vector.broadcast %mul3A_411 : f32 to vector<16xf32>
        %mul3A_413 = arith.mulf %get3A_410, %mul3A_412 : vector<16xf32>
        %get3A_414 = arith.index_cast %add3A_406 : i32 to index
        %get3A_415 = arith.constant 0 : index
        %get3A_416 = tpu.vector_load %arg7[%get3A_414, %get3A_415] {strides = array<i32>} : memref<200x64xf32, #tpu.memory_space<vmem>>, vector<1x16xf32>,
        %get3A_417 = vector.shape_cast %get3A_416 : vector<1x16xf32> to vector<16xf32>
        %add3A_418 = arith.addf %mul3A_413, %get3A_417 : vector<16xf32>
        %swap3A_419 = arith.index_cast %add3A_406 : i32 to index
        %swap3A_420 = arith.constant 0 : index
        %swap3A_421 = tpu.vector_load %arg8[%swap3A_419, %swap3A_420] {strides = array<i32>} : memref<200x64xf32, #tpu.memory_space<vmem>>, vector<1x16xf32>,
        %swap3A_422 = vector.shape_cast %swap3A_421 : vector<1x16xf32> to vector<16xf32>
        %swap3A_423 = vector.shape_cast %add3A_418 : vector<16xf32> to vector<1x16xf32>
        tpu.vector_store %arg8[%swap3A_419, %swap3A_420], %swap3A_423 {strides = array<i32>} : memref<200x64xf32, #tpu.memory_space<vmem>>, vector<1x16xf32>,
        %get3A_424 = arith.index_cast %add3A_406 : i32 to index
        %get3A_425 = arith.constant 16 : index
        %get3A_426 = tpu.vector_load %arg8[%get3A_424, %get3A_425] {strides = array<i32>} : memref<200x64xf32, #tpu.memory_space<vmem>>, vector<1x16xf32>,
        %get3A_427 = vector.shape_cast %get3A_426 : vector<1x16xf32> to vector<16xf32>
        %mul3A_428 = arith.constant 8.000000e+00 : f32
        %mul3A_429 = vector.broadcast %mul3A_428 : f32 to vector<16xf32>
        %mul3A_430 = arith.mulf %get3A_427, %mul3A_429 : vector<16xf32>
        %get3A_431 = arith.index_cast %add3A_406 : i32 to index
        %get3A_432 = arith.constant 16 : index
        %get3A_433 = tpu.vector_load %arg7[%get3A_431, %get3A_432] {strides = array<i32>} : memref<200x64xf32, #tpu.memory_space<vmem>>, vector<1x16xf32>,
        %get3A_434 = vector.shape_cast %get3A_433 : vector<1x16xf32> to vector<16xf32>
        %add3A_435 = arith.addf %mul3A_430, %get3A_434 : vector<16xf32>
        %swap3A_436 = arith.index_cast %add3A_406 : i32 to index
        %swap3A_437 = arith.constant 16 : index
        %swap3A_438 = tpu.vector_load %arg8[%swap3A_436, %swap3A_437] {strides = array<i32>} : memref<200x64xf32, #tpu.memory_space<vmem>>, vector<1x16xf32>,
        %swap3A_439 = vector.shape_cast %swap3A_438 : vector<1x16xf32> to vector<16xf32>
        %swap3A_440 = vector.shape_cast %add3A_435 : vector<16xf32> to vector<1x16xf32>
        tpu.vector_store %arg8[%swap3A_436, %swap3A_437], %swap3A_440 {strides = array<i32>} : memref<200x64xf32, #tpu.memory_space<vmem>>, vector<1x16xf32>,
        %get3A_441 = arith.index_cast %add3A_406 : i32 to index
        %get3A_442 = arith.constant 32 : index
        %get3A_443 = tpu.vector_load %arg8[%get3A_441, %get3A_442] {strides = array<i32>} : memref<200x64xf32, #tpu.memory_space<vmem>>, vector<1x16xf32>,
        %get3A_444 = vector.shape_cast %get3A_443 : vector<1x16xf32> to vector<16xf32>
        %mul3A_445 = arith.constant 8.000000e+00 : f32
        %mul3A_446 = vector.broadcast %mul3A_445 : f32 to vector<16xf32>
        %mul3A_447 = arith.mulf %get3A_444, %mul3A_446 : vector<16xf32>
        %get3A_448 = arith.index_cast %add3A_406 : i32 to index
        %get3A_449 = arith.constant 32 : index
        %get3A_450 = tpu.vector_load %arg7[%get3A_448, %get3A_449] {strides = array<i32>} : memref<200x64xf32, #tpu.memory_space<vmem>>, vector<1x16xf32>,
        %get3A_451 = vector.shape_cast %get3A_450 : vector<1x16xf32> to vector<16xf32>
        %add3A_452 = arith.addf %mul3A_447, %get3A_451 : vector<16xf32>
        %swap3A_453 = arith.index_cast %add3A_406 : i32 to index
        %swap3A_454 = arith.constant 32 : index
        %swap3A_455 = tpu.vector_load %arg8[%swap3A_453, %swap3A_454] {strides = array<i32>} : memref<200x64xf32, #tpu.memory_space<vmem>>, vector<1x16xf32>,
        %swap3A_456 = vector.shape_cast %swap3A_455 : vector<1x16xf32> to vector<16xf32>
        %swap3A_457 = vector.shape_cast %add3A_452 : vector<16xf32> to vector<1x16xf32>
        tpu.vector_store %arg8[%swap3A_453, %swap3A_454], %swap3A_457 {strides = array<i32>} : memref<200x64xf32, #tpu.memory_space<vmem>>, vector<1x16xf32>,
        %get3A_458 = arith.index_cast %add3A_406 : i32 to index
        %get3A_459 = arith.constant 48 : index
        %get3A_460 = tpu.vector_load %arg8[%get3A_458, %get3A_459] {strides = array<i32>} : memref<200x64xf32, #tpu.memory_space<vmem>>, vector<1x16xf32>,
        %get3A_461 = vector.shape_cast %get3A_460 : vector<1x16xf32> to vector<16xf32>
        %mul3A_462 = arith.constant 8.000000e+00 : f32
        %mul3A_463 = vector.broadcast %mul3A_462 : f32 to vector<16xf32>
        %mul3A_464 = arith.mulf %get3A_461, %mul3A_463 : vector<16xf32>
        %get3A_465 = arith.index_cast %add3A_406 : i32 to index
        %get3A_466 = arith.constant 48 : index
        %get3A_467 = tpu.vector_load %arg7[%get3A_465, %get3A_466] {strides = array<i32>} : memref<200x64xf32, #tpu.memory_space<vmem>>, vector<1x16xf32>,
        %get3A_468 = vector.shape_cast %get3A_467 : vector<1x16xf32> to vector<16xf32>
        %add3A_469 = arith.addf %mul3A_464, %get3A_468 : vector<16xf32>
        %swap3A_470 = arith.index_cast %add3A_406 : i32 to index
        %swap3A_471 = arith.constant 48 : index
        %swap3A_472 = tpu.vector_load %arg8[%swap3A_470, %swap3A_471] {strides = array<i32>} : memref<200x64xf32, #tpu.memory_space<vmem>>, vector<1x16xf32>,
        %swap3A_473 = vector.shape_cast %swap3A_472 : vector<1x16xf32> to vector<16xf32>
        %swap3A_474 = vector.shape_cast %add3A_469 : vector<16xf32> to vector<1x16xf32>
        tpu.vector_store %arg8[%swap3A_470, %swap3A_471], %swap3A_474 {strides = array<i32>} : memref<200x64xf32, #tpu.memory_space<vmem>>, vector<1x16xf32>,
        %mul3A_475 = arith.constant 4 : i32
        %mul3A_476 = arith.muli %scan3A_260, %mul3A_475 : i32
        %add3A_477 = arith.constant 3 : i32
        %add3A_478 = arith.addi %mul3A_476, %add3A_477 : i32
        %get3A_479 = arith.index_cast %add3A_478 : i32 to index
        %get3A_480 = arith.constant 0 : index
        %get3A_481 = tpu.vector_load %arg8[%get3A_479, %get3A_480] {strides = array<i32>} : memref<200x64xf32, #tpu.memory_space<vmem>>, vector<1x16xf32>,
        %get3A_482 = vector.shape_cast %get3A_481 : vector<1x16xf32> to vector<16xf32>
        %mul3A_483 = arith.constant 8.000000e+00 : f32
        %mul3A_484 = vector.broadcast %mul3A_483 : f32 to vector<16xf32>
        %mul3A_485 = arith.mulf %get3A_482, %mul3A_484 : vector<16xf32>
        %get3A_486 = arith.index_cast %add3A_478 : i32 to index
        %get3A_487 = arith.constant 0 : index
        %get3A_488 = tpu.vector_load %arg7[%get3A_486, %get3A_487] {strides = array<i32>} : memref<200x64xf32, #tpu.memory_space<vmem>>, vector<1x16xf32>,
        %get3A_489 = vector.shape_cast %get3A_488 : vector<1x16xf32> to vector<16xf32>
        %add3A_490 = arith.addf %mul3A_485, %get3A_489 : vector<16xf32>
        %swap3A_491 = arith.index_cast %add3A_478 : i32 to index
        %swap3A_492 = arith.constant 0 : index
        %swap3A_493 = tpu.vector_load %arg8[%swap3A_491, %swap3A_492] {strides = array<i32>} : memref<200x64xf32, #tpu.memory_space<vmem>>, vector<1x16xf32>,
        %swap3A_494 = vector.shape_cast %swap3A_493 : vector<1x16xf32> to vector<16xf32>
        %swap3A_495 = vector.shape_cast %add3A_490 : vector<16xf32> to vector<1x16xf32>
        tpu.vector_store %arg8[%swap3A_491, %swap3A_492], %swap3A_495 {strides = array<i32>} : memref<200x64xf32, #tpu.memory_space<vmem>>, vector<1x16xf32>,
        %get3A_496 = arith.index_cast %add3A_478 : i32 to index
        %get3A_497 = arith.constant 16 : index
        %get3A_498 = tpu.vector_load %arg8[%get3A_496, %get3A_497] {strides = array<i32>} : memref<200x64xf32, #tpu.memory_space<vmem>>, vector<1x16xf32>,
        %get3A_499 = vector.shape_cast %get3A_498 : vector<1x16xf32> to vector<16xf32>
        %mul3A_500 = arith.constant 8.000000e+00 : f32
        %mul3A_501 = vector.broadcast %mul3A_500 : f32 to vector<16xf32>
        %mul3A_502 = arith.mulf %get3A_499, %mul3A_501 : vector<16xf32>
        %get3A_503 = arith.index_cast %add3A_478 : i32 to index
        %get3A_504 = arith.constant 16 : index
        %get3A_505 = tpu.vector_load %arg7[%get3A_503, %get3A_504] {strides = array<i32>} : memref<200x64xf32, #tpu.memory_space<vmem>>, vector<1x16xf32>,
        %get3A_506 = vector.shape_cast %get3A_505 : vector<1x16xf32> to vector<16xf32>
        %add3A_507 = arith.addf %mul3A_502, %get3A_506 : vector<16xf32>
        %swap3A_508 = arith.index_cast %add3A_478 : i32 to index
        %swap3A_509 = arith.constant 16 : index
        %swap3A_510 = tpu.vector_load %arg8[%swap3A_508, %swap3A_509] {strides = array<i32>} : memref<200x64xf32, #tpu.memory_space<vmem>>, vector<1x16xf32>,
        %swap3A_511 = vector.shape_cast %swap3A_510 : vector<1x16xf32> to vector<16xf32>
        %swap3A_512 = vector.shape_cast %add3A_507 : vector<16xf32> to vector<1x16xf32>
        tpu.vector_store %arg8[%swap3A_508, %swap3A_509], %swap3A_512 {strides = array<i32>} : memref<200x64xf32, #tpu.memory_space<vmem>>, vector<1x16xf32>,
        %get3A_513 = arith.index_cast %add3A_478 : i32 to index
        %get3A_514 = arith.constant 32 : index
        %get3A_515 = tpu.vector_load %arg8[%get3A_513, %get3A_514] {strides = array<i32>} : memref<200x64xf32, #tpu.memory_space<vmem>>, vector<1x16xf32>,
        %get3A_516 = vector.shape_cast %get3A_515 : vector<1x16xf32> to vector<16xf32>
        %mul3A_517 = arith.constant 8.000000e+00 : f32
        %mul3A_518 = vector.broadcast %mul3A_517 : f32 to vector<16xf32>
        %mul3A_519 = arith.mulf %get3A_516, %mul3A_518 : vector<16xf32>
        %get3A_520 = arith.index_cast %add3A_478 : i32 to index
        %get3A_521 = arith.constant 32 : index
        %get3A_522 = tpu.vector_load %arg7[%get3A_520, %get3A_521] {strides = array<i32>} : memref<200x64xf32, #tpu.memory_space<vmem>>, vector<1x16xf32>,
        %get3A_523 = vector.shape_cast %get3A_522 : vector<1x16xf32> to vector<16xf32>
        %add3A_524 = arith.addf %mul3A_519, %get3A_523 : vector<16xf32>
        %swap3A_525 = arith.index_cast %add3A_478 : i32 to index
        %swap3A_526 = arith.constant 32 : index
        %swap3A_527 = tpu.vector_load %arg8[%swap3A_525, %swap3A_526] {strides = array<i32>} : memref<200x64xf32, #tpu.memory_space<vmem>>, vector<1x16xf32>,
        %swap3A_528 = vector.shape_cast %swap3A_527 : vector<1x16xf32> to vector<16xf32>
        %swap3A_529 = vector.shape_cast %add3A_524 : vector<16xf32> to vector<1x16xf32>
        tpu.vector_store %arg8[%swap3A_525, %swap3A_526], %swap3A_529 {strides = array<i32>} : memref<200x64xf32, #tpu.memory_space<vmem>>, vector<1x16xf32>,
        %get3A_530 = arith.index_cast %add3A_478 : i32 to index
        %get3A_531 = arith.constant 48 : index
        %get3A_532 = tpu.vector_load %arg8[%get3A_530, %get3A_531] {strides = array<i32>} : memref<200x64xf32, #tpu.memory_space<vmem>>, vector<1x16xf32>,
        %get3A_533 = vector.shape_cast %get3A_532 : vector<1x16xf32> to vector<16xf32>
        %mul3A_534 = arith.constant 8.000000e+00 : f32
        %mul3A_535 = vector.broadcast %mul3A_534 : f32 to vector<16xf32>
        %mul3A_536 = arith.mulf %get3A_533, %mul3A_535 : vector<16xf32>
        %get3A_537 = arith.index_cast %add3A_478 : i32 to index
        %get3A_538 = arith.constant 48 : index
        %get3A_539 = tpu.vector_load %arg7[%get3A_537, %get3A_538] {strides = array<i32>} : memref<200x64xf32, #tpu.memory_space<vmem>>, vector<1x16xf32>,
        %get3A_540 = vector.shape_cast %get3A_539 : vector<1x16xf32> to vector<16xf32>
        %add3A_541 = arith.addf %mul3A_536, %get3A_540 : vector<16xf32>
        %swap3A_542 = arith.index_cast %add3A_478 : i32 to index
        %swap3A_543 = arith.constant 48 : index
        %swap3A_544 = tpu.vector_load %arg8[%swap3A_542, %swap3A_543] {strides = array<i32>} : memref<200x64xf32, #tpu.memory_space<vmem>>, vector<1x16xf32>,
        %swap3A_545 = vector.shape_cast %swap3A_544 : vector<1x16xf32> to vector<16xf32>
        %swap3A_546 = vector.shape_cast %add3A_541 : vector<16xf32> to vector<1x16xf32>
        tpu.vector_store %arg8[%swap3A_542, %swap3A_543], %swap3A_546 {strides = array<i32>} : memref<200x64xf32, #tpu.memory_space<vmem>>, vector<1x16xf32>,
      }
      %scan3A_152 = arith.constant 50 : i32
      %add3A_153 = arith.addi %mul3A_2, %add3A_112 : i32
      %dma_start3A_154 = arith.constant 0 : i32
      %dma_start3A_155 = arith.constant 0 : i32
      %dma_start3A_156 = tpu.memref_slice %arg5[%add3A_153, %dma_start3A_154, %dma_start3A_155] : memref<1024x200x64xf32, #tpu.memory_space<hbm>> -> memref<1x200x64xf32, #tpu.memory_space<hbm>>
      %dma_start3A_157 = tpu.memref_squeeze %dma_start3A_156 : memref<1x200x64xf32, #tpu.memory_space<hbm>> -> memref<200x64xf32, #tpu.memory_space<hbm>>
      %dma_start3A_158 = arith.constant 0 : i32
      %dma_start3A_159 = arith.constant 0 : i32
      %dma_start3A_160 = tpu.memref_slice %arg5[%add3A_153, %dma_start3A_158, %dma_start3A_159] : memref<1024x200x64xf32, #tpu.memory_space<hbm>> -> memref<1x200x64xf32, #tpu.memory_space<hbm>>
      %dma_start3A_161 = tpu.memref_squeeze %dma_start3A_160 : memref<1x200x64xf32, #tpu.memory_space<hbm>> -> memref<200x64xf32, #tpu.memory_space<hbm>>
      tpu.enqueue_dma source(%arg8 : memref<200x64xf32, #tpu.memory_space<vmem>>) target(%dma_start3A_161 : memref<200x64xf32, #tpu.memory_space<hbm>>) target_semaphore(%arg16 : memref<!tpu.dma_semaphore, #tpu.memory_space<semaphore_mem>>)
      %mul3A_162 = arith.constant 4 : i32
      %mul3A_163 = arith.muli %mul3A_162, %scan3A_108 : i32
      %add3A_164 = arith.constant 1 : i32
      %add3A_165 = arith.addi %mul3A_163, %add3A_164 : i32
      %le3A = arith.constant 6 : i32
      %le3A_166 = arith.cmpi sle, %scan3A_108, %le3A : i32
      %convert_element_type3A_167 = arith.extui %le3A_166 : i1 to i32
      %cond3A_168 = arith.constant 0 : i32
      %cond3A_169 = arith.cmpi ne, %convert_element_type3A_167, %cond3A_168 : i32
      scf.if %cond3A_169 {
        %dma_wait3A_260 = arith.constant 0 : i32
        %dma_wait3A_261 = arith.constant 0 : i32
        %dma_wait3A_262 = arith.constant 0 : i32
        %dma_wait3A_263 = tpu.memref_slice %arg5[%dma_wait3A_260, %dma_wait3A_261, %dma_wait3A_262] : memref<1024x200x64xf32, #tpu.memory_space<hbm>> -> memref<1x200x64xf32, #tpu.memory_space<hbm>>
        %dma_wait3A_264 = tpu.memref_squeeze %dma_wait3A_263 : memref<1x200x64xf32, #tpu.memory_space<hbm>> -> memref<200x64xf32, #tpu.memory_space<hbm>>
        %dma_wait3A_265 = arith.constant 0 : i32
        %dma_wait3A_266 = arith.constant 0 : i32
        %dma_wait3A_267 = tpu.memref_slice %arg5[%dma_wait3A_260, %dma_wait3A_265, %dma_wait3A_266] : memref<1024x200x64xf32, #tpu.memory_space<hbm>> -> memref<1x200x64xf32, #tpu.memory_space<hbm>>
        %dma_wait3A_268 = tpu.memref_squeeze %dma_wait3A_267 : memref<1x200x64xf32, #tpu.memory_space<hbm>> -> memref<200x64xf32, #tpu.memory_space<hbm>>
        tpu.wait_dma2 semaphore(%arg16 : memref<!tpu.dma_semaphore, #tpu.memory_space<semaphore_mem>>) src(%arg8 : memref<200x64xf32, #tpu.memory_space<vmem>>) dst(%dma_wait3A_268 : memref<200x64xf32, #tpu.memory_space<hbm>>)
        %add3A_269 = arith.constant 4 : i32
        %add3A_270 = arith.addi %add3A_165, %add3A_269 : i32
        %sub3A_271 = arith.constant 1 : i32
        %sub3A_272 = arith.subi %add3A_270, %sub3A_271 : i32
        %dma_start3A_273 = arith.constant 0 : i32
        %dma_start3A_274 = arith.constant 0 : i32
        %dma_start3A_275 = arith.constant 0 : i32
        %dma_start3A_276 = tpu.memref_slice %arg8[%dma_start3A_274, %dma_start3A_275] : memref<200x64xf32, #tpu.memory_space<vmem>> -> memref<100x64xf32, #tpu.memory_space<vmem>>
        %dma_start3A_277 = arith.constant 0 : i32
        %dma_start3A_278 = tpu.memref_slice %arg6[%sub3A_272, %dma_start3A_273, %dma_start3A_277] : memref<32x2x100xi32, #tpu.memory_space<vmem>> -> memref<1x1x100xi32, #tpu.memory_space<vmem>>
        %dma_start3A_279 = tpu.memref_squeeze %dma_start3A_278 : memref<1x1x100xi32, #tpu.memory_space<vmem>> -> memref<100xi32, #tpu.memory_space<vmem>>
        %dma_start3A_280 = arith.constant 0 : i32
        %dma_start3A_281 = arith.constant 0 : i32
        %dma_start3A_282 = tpu.memref_slice %arg3[%dma_start3A_280, %dma_start3A_281] : memref<200000x64xf32, #tpu.memory_space<hbm>> -> memref<200000x64xf32, #tpu.memory_space<hbm>>
        tpu.enqueue_indirect_dma source(%dma_start3A_282 : memref<200000x64xf32, #tpu.memory_space<hbm>>) target(%dma_start3A_276 : memref<100x64xf32, #tpu.memory_space<vmem>>) offsets(%dma_start3A_279 : memref<100xi32, #tpu.memory_space<vmem>>) semaphore(%arg12 : memref<!tpu.dma_semaphore, #tpu.memory_space<semaphore_mem>>)
        %dma_start3A_283 = arith.constant 1 : i32
        %dma_start3A_284 = arith.constant 100 : i32
        %dma_start3A_285 = arith.constant 0 : i32
        %dma_start3A_286 = tpu.memref_slice %arg8[%dma_start3A_284, %dma_start3A_285] : memref<200x64xf32, #tpu.memory_space<vmem>> -> memref<100x64xf32, #tpu.memory_space<vmem>>
        %dma_start3A_287 = arith.constant 0 : i32
        %dma_start3A_288 = tpu.memref_slice %arg6[%sub3A_272, %dma_start3A_283, %dma_start3A_287] : memref<32x2x100xi32, #tpu.memory_space<vmem>> -> memref<1x1x100xi32, #tpu.memory_space<vmem>>
        %dma_start3A_289 = tpu.memref_squeeze %dma_start3A_288 : memref<1x1x100xi32, #tpu.memory_space<vmem>> -> memref<100xi32, #tpu.memory_space<vmem>>
        %dma_start3A_290 = arith.constant 0 : i32
        %dma_start3A_291 = arith.constant 0 : i32
        %dma_start3A_292 = tpu.memref_slice %arg3[%dma_start3A_290, %dma_start3A_291] : memref<200000x64xf32, #tpu.memory_space<hbm>> -> memref<200000x64xf32, #tpu.memory_space<hbm>>
        tpu.enqueue_indirect_dma source(%dma_start3A_292 : memref<200000x64xf32, #tpu.memory_space<hbm>>) target(%dma_start3A_286 : memref<100x64xf32, #tpu.memory_space<vmem>>) offsets(%dma_start3A_289 : memref<100xi32, #tpu.memory_space<vmem>>) semaphore(%arg12 : memref<!tpu.dma_semaphore, #tpu.memory_space<semaphore_mem>>)
      } else {
      }
      %dma_wait3A_170 = arith.constant 0 : i32
      %dma_wait3A_171 = arith.constant 0 : i32
      %dma_wait3A_172 = arith.constant 0 : i32
      %dma_wait3A_173 = tpu.memref_slice %arg5[%dma_wait3A_170, %dma_wait3A_171, %dma_wait3A_172] : memref<1024x200x64xf32, #tpu.memory_space<hbm>> -> memref<1x200x64xf32, #tpu.memory_space<hbm>>
      %dma_wait3A_174 = tpu.memref_squeeze %dma_wait3A_173 : memref<1x200x64xf32, #tpu.memory_space<hbm>> -> memref<200x64xf32, #tpu.memory_space<hbm>>
      %dma_wait3A_175 = arith.constant 0 : i32
      %dma_wait3A_176 = arith.constant 0 : i32
      %dma_wait3A_177 = tpu.memref_slice %arg5[%dma_wait3A_170, %dma_wait3A_175, %dma_wait3A_176] : memref<1024x200x64xf32, #tpu.memory_space<hbm>> -> memref<1x200x64xf32, #tpu.memory_space<hbm>>
      %dma_wait3A_178 = tpu.memref_squeeze %dma_wait3A_177 : memref<1x200x64xf32, #tpu.memory_space<hbm>> -> memref<200x64xf32, #tpu.memory_space<hbm>>
      tpu.wait_dma2 semaphore(%arg13 : memref<!tpu.dma_semaphore, #tpu.memory_space<semaphore_mem>>) src(%dma_wait3A_178 : memref<200x64xf32, #tpu.memory_space<hbm>>) dst(%arg9 : memref<200x64xf32, #tpu.memory_space<vmem>>)
      %scan3A_179 = arith.constant 0 : i32
      %scan3A_180 = arith.constant 0 : i32
      %scan3A_181 = arith.constant 50 : i32
      %scan3A_182 = arith.addi %scan3A_180, %scan3A_181 : i32
      %scan3A_183 = arith.constant 1 : i32
      scf.for %scan3A_260 = %scan3A_180 to %scan3A_182 step %scan3A_183  : i32 {
        %mul3A_261 = arith.constant 4 : i32
        %mul3A_262 = arith.muli %scan3A_260, %mul3A_261 : i32
        %add3A_263 = arith.constant 0 : i32
        %add3A_264 = arith.addi %mul3A_262, %add3A_263 : i32
        %get3A = arith.index_cast %add3A_264 : i32 to index
        %get3A_265 = arith.constant 0 : index
        %get3A_266 = tpu.vector_load %arg9[%get3A, %get3A_265] {strides = array<i32>} : memref<200x64xf32, #tpu.memory_space<vmem>>, vector<1x16xf32>,
        %get3A_267 = vector.shape_cast %get3A_266 : vector<1x16xf32> to vector<16xf32>
        %mul3A_268 = arith.constant 8.000000e+00 : f32
        %mul3A_269 = vector.broadcast %mul3A_268 : f32 to vector<16xf32>
        %mul3A_270 = arith.mulf %get3A_267, %mul3A_269 : vector<16xf32>
        %get3A_271 = arith.index_cast %add3A_264 : i32 to index
        %get3A_272 = arith.constant 0 : index
        %get3A_273 = tpu.vector_load %arg7[%get3A_271, %get3A_272] {strides = array<i32>} : memref<200x64xf32, #tpu.memory_space<vmem>>, vector<1x16xf32>,
        %get3A_274 = vector.shape_cast %get3A_273 : vector<1x16xf32> to vector<16xf32>
        %add3A_275 = arith.addf %mul3A_270, %get3A_274 : vector<16xf32>
        %swap3A = arith.index_cast %add3A_264 : i32 to index
        %swap3A_276 = arith.constant 0 : index
        %swap3A_277 = tpu.vector_load %arg9[%swap3A, %swap3A_276] {strides = array<i32>} : memref<200x64xf32, #tpu.memory_space<vmem>>, vector<1x16xf32>,
        %swap3A_278 = vector.shape_cast %swap3A_277 : vector<1x16xf32> to vector<16xf32>
        %swap3A_279 = vector.shape_cast %add3A_275 : vector<16xf32> to vector<1x16xf32>
        tpu.vector_store %arg9[%swap3A, %swap3A_276], %swap3A_279 {strides = array<i32>} : memref<200x64xf32, #tpu.memory_space<vmem>>, vector<1x16xf32>,
        %get3A_280 = arith.index_cast %add3A_264 : i32 to index
        %get3A_281 = arith.constant 16 : index
        %get3A_282 = tpu.vector_load %arg9[%get3A_280, %get3A_281] {strides = array<i32>} : memref<200x64xf32, #tpu.memory_space<vmem>>, vector<1x16xf32>,
        %get3A_283 = vector.shape_cast %get3A_282 : vector<1x16xf32> to vector<16xf32>
        %mul3A_284 = arith.constant 8.000000e+00 : f32
        %mul3A_285 = vector.broadcast %mul3A_284 : f32 to vector<16xf32>
        %mul3A_286 = arith.mulf %get3A_283, %mul3A_285 : vector<16xf32>
        %get3A_287 = arith.index_cast %add3A_264 : i32 to index
        %get3A_288 = arith.constant 16 : index
        %get3A_289 = tpu.vector_load %arg7[%get3A_287, %get3A_288] {strides = array<i32>} : memref<200x64xf32, #tpu.memory_space<vmem>>, vector<1x16xf32>,
        %get3A_290 = vector.shape_cast %get3A_289 : vector<1x16xf32> to vector<16xf32>
        %add3A_291 = arith.addf %mul3A_286, %get3A_290 : vector<16xf32>
        %swap3A_292 = arith.index_cast %add3A_264 : i32 to index
        %swap3A_293 = arith.constant 16 : index
        %swap3A_294 = tpu.vector_load %arg9[%swap3A_292, %swap3A_293] {strides = array<i32>} : memref<200x64xf32, #tpu.memory_space<vmem>>, vector<1x16xf32>,
        %swap3A_295 = vector.shape_cast %swap3A_294 : vector<1x16xf32> to vector<16xf32>
        %swap3A_296 = vector.shape_cast %add3A_291 : vector<16xf32> to vector<1x16xf32>
        tpu.vector_store %arg9[%swap3A_292, %swap3A_293], %swap3A_296 {strides = array<i32>} : memref<200x64xf32, #tpu.memory_space<vmem>>, vector<1x16xf32>,
        %get3A_297 = arith.index_cast %add3A_264 : i32 to index
        %get3A_298 = arith.constant 32 : index
        %get3A_299 = tpu.vector_load %arg9[%get3A_297, %get3A_298] {strides = array<i32>} : memref<200x64xf32, #tpu.memory_space<vmem>>, vector<1x16xf32>,
        %get3A_300 = vector.shape_cast %get3A_299 : vector<1x16xf32> to vector<16xf32>
        %mul3A_301 = arith.constant 8.000000e+00 : f32
        %mul3A_302 = vector.broadcast %mul3A_301 : f32 to vector<16xf32>
        %mul3A_303 = arith.mulf %get3A_300, %mul3A_302 : vector<16xf32>
        %get3A_304 = arith.index_cast %add3A_264 : i32 to index
        %get3A_305 = arith.constant 32 : index
        %get3A_306 = tpu.vector_load %arg7[%get3A_304, %get3A_305] {strides = array<i32>} : memref<200x64xf32, #tpu.memory_space<vmem>>, vector<1x16xf32>,
        %get3A_307 = vector.shape_cast %get3A_306 : vector<1x16xf32> to vector<16xf32>
        %add3A_308 = arith.addf %mul3A_303, %get3A_307 : vector<16xf32>
        %swap3A_309 = arith.index_cast %add3A_264 : i32 to index
        %swap3A_310 = arith.constant 32 : index
        %swap3A_311 = tpu.vector_load %arg9[%swap3A_309, %swap3A_310] {strides = array<i32>} : memref<200x64xf32, #tpu.memory_space<vmem>>, vector<1x16xf32>,
        %swap3A_312 = vector.shape_cast %swap3A_311 : vector<1x16xf32> to vector<16xf32>
        %swap3A_313 = vector.shape_cast %add3A_308 : vector<16xf32> to vector<1x16xf32>
        tpu.vector_store %arg9[%swap3A_309, %swap3A_310], %swap3A_313 {strides = array<i32>} : memref<200x64xf32, #tpu.memory_space<vmem>>, vector<1x16xf32>,
        %get3A_314 = arith.index_cast %add3A_264 : i32 to index
        %get3A_315 = arith.constant 48 : index
        %get3A_316 = tpu.vector_load %arg9[%get3A_314, %get3A_315] {strides = array<i32>} : memref<200x64xf32, #tpu.memory_space<vmem>>, vector<1x16xf32>,
        %get3A_317 = vector.shape_cast %get3A_316 : vector<1x16xf32> to vector<16xf32>
        %mul3A_318 = arith.constant 8.000000e+00 : f32
        %mul3A_319 = vector.broadcast %mul3A_318 : f32 to vector<16xf32>
        %mul3A_320 = arith.mulf %get3A_317, %mul3A_319 : vector<16xf32>
        %get3A_321 = arith.index_cast %add3A_264 : i32 to index
        %get3A_322 = arith.constant 48 : index
        %get3A_323 = tpu.vector_load %arg7[%get3A_321, %get3A_322] {strides = array<i32>} : memref<200x64xf32, #tpu.memory_space<vmem>>, vector<1x16xf32>,
        %get3A_324 = vector.shape_cast %get3A_323 : vector<1x16xf32> to vector<16xf32>
        %add3A_325 = arith.addf %mul3A_320, %get3A_324 : vector<16xf32>
        %swap3A_326 = arith.index_cast %add3A_264 : i32 to index
        %swap3A_327 = arith.constant 48 : index
        %swap3A_328 = tpu.vector_load %arg9[%swap3A_326, %swap3A_327] {strides = array<i32>} : memref<200x64xf32, #tpu.memory_space<vmem>>, vector<1x16xf32>,
        %swap3A_329 = vector.shape_cast %swap3A_328 : vector<1x16xf32> to vector<16xf32>
        %swap3A_330 = vector.shape_cast %add3A_325 : vector<16xf32> to vector<1x16xf32>
        tpu.vector_store %arg9[%swap3A_326, %swap3A_327], %swap3A_330 {strides = array<i32>} : memref<200x64xf32, #tpu.memory_space<vmem>>, vector<1x16xf32>,
        %mul3A_331 = arith.constant 4 : i32
        %mul3A_332 = arith.muli %scan3A_260, %mul3A_331 : i32
        %add3A_333 = arith.constant 1 : i32
        %add3A_334 = arith.addi %mul3A_332, %add3A_333 : i32
        %get3A_335 = arith.index_cast %add3A_334 : i32 to index
        %get3A_336 = arith.constant 0 : index
        %get3A_337 = tpu.vector_load %arg9[%get3A_335, %get3A_336] {strides = array<i32>} : memref<200x64xf32, #tpu.memory_space<vmem>>, vector<1x16xf32>,
        %get3A_338 = vector.shape_cast %get3A_337 : vector<1x16xf32> to vector<16xf32>
        %mul3A_339 = arith.constant 8.000000e+00 : f32
        %mul3A_340 = vector.broadcast %mul3A_339 : f32 to vector<16xf32>
        %mul3A_341 = arith.mulf %get3A_338, %mul3A_340 : vector<16xf32>
        %get3A_342 = arith.index_cast %add3A_334 : i32 to index
        %get3A_343 = arith.constant 0 : index
        %get3A_344 = tpu.vector_load %arg7[%get3A_342, %get3A_343] {strides = array<i32>} : memref<200x64xf32, #tpu.memory_space<vmem>>, vector<1x16xf32>,
        %get3A_345 = vector.shape_cast %get3A_344 : vector<1x16xf32> to vector<16xf32>
        %add3A_346 = arith.addf %mul3A_341, %get3A_345 : vector<16xf32>
        %swap3A_347 = arith.index_cast %add3A_334 : i32 to index
        %swap3A_348 = arith.constant 0 : index
        %swap3A_349 = tpu.vector_load %arg9[%swap3A_347, %swap3A_348] {strides = array<i32>} : memref<200x64xf32, #tpu.memory_space<vmem>>, vector<1x16xf32>,
        %swap3A_350 = vector.shape_cast %swap3A_349 : vector<1x16xf32> to vector<16xf32>
        %swap3A_351 = vector.shape_cast %add3A_346 : vector<16xf32> to vector<1x16xf32>
        tpu.vector_store %arg9[%swap3A_347, %swap3A_348], %swap3A_351 {strides = array<i32>} : memref<200x64xf32, #tpu.memory_space<vmem>>, vector<1x16xf32>,
        %get3A_352 = arith.index_cast %add3A_334 : i32 to index
        %get3A_353 = arith.constant 16 : index
        %get3A_354 = tpu.vector_load %arg9[%get3A_352, %get3A_353] {strides = array<i32>} : memref<200x64xf32, #tpu.memory_space<vmem>>, vector<1x16xf32>,
        %get3A_355 = vector.shape_cast %get3A_354 : vector<1x16xf32> to vector<16xf32>
        %mul3A_356 = arith.constant 8.000000e+00 : f32
        %mul3A_357 = vector.broadcast %mul3A_356 : f32 to vector<16xf32>
        %mul3A_358 = arith.mulf %get3A_355, %mul3A_357 : vector<16xf32>
        %get3A_359 = arith.index_cast %add3A_334 : i32 to index
        %get3A_360 = arith.constant 16 : index
        %get3A_361 = tpu.vector_load %arg7[%get3A_359, %get3A_360] {strides = array<i32>} : memref<200x64xf32, #tpu.memory_space<vmem>>, vector<1x16xf32>,
        %get3A_362 = vector.shape_cast %get3A_361 : vector<1x16xf32> to vector<16xf32>
        %add3A_363 = arith.addf %mul3A_358, %get3A_362 : vector<16xf32>
        %swap3A_364 = arith.index_cast %add3A_334 : i32 to index
        %swap3A_365 = arith.constant 16 : index
        %swap3A_366 = tpu.vector_load %arg9[%swap3A_364, %swap3A_365] {strides = array<i32>} : memref<200x64xf32, #tpu.memory_space<vmem>>, vector<1x16xf32>,
        %swap3A_367 = vector.shape_cast %swap3A_366 : vector<1x16xf32> to vector<16xf32>
        %swap3A_368 = vector.shape_cast %add3A_363 : vector<16xf32> to vector<1x16xf32>
        tpu.vector_store %arg9[%swap3A_364, %swap3A_365], %swap3A_368 {strides = array<i32>} : memref<200x64xf32, #tpu.memory_space<vmem>>, vector<1x16xf32>,
        %get3A_369 = arith.index_cast %add3A_334 : i32 to index
        %get3A_370 = arith.constant 32 : index
        %get3A_371 = tpu.vector_load %arg9[%get3A_369, %get3A_370] {strides = array<i32>} : memref<200x64xf32, #tpu.memory_space<vmem>>, vector<1x16xf32>,
        %get3A_372 = vector.shape_cast %get3A_371 : vector<1x16xf32> to vector<16xf32>
        %mul3A_373 = arith.constant 8.000000e+00 : f32
        %mul3A_374 = vector.broadcast %mul3A_373 : f32 to vector<16xf32>
        %mul3A_375 = arith.mulf %get3A_372, %mul3A_374 : vector<16xf32>
        %get3A_376 = arith.index_cast %add3A_334 : i32 to index
        %get3A_377 = arith.constant 32 : index
        %get3A_378 = tpu.vector_load %arg7[%get3A_376, %get3A_377] {strides = array<i32>} : memref<200x64xf32, #tpu.memory_space<vmem>>, vector<1x16xf32>,
        %get3A_379 = vector.shape_cast %get3A_378 : vector<1x16xf32> to vector<16xf32>
        %add3A_380 = arith.addf %mul3A_375, %get3A_379 : vector<16xf32>
        %swap3A_381 = arith.index_cast %add3A_334 : i32 to index
        %swap3A_382 = arith.constant 32 : index
        %swap3A_383 = tpu.vector_load %arg9[%swap3A_381, %swap3A_382] {strides = array<i32>} : memref<200x64xf32, #tpu.memory_space<vmem>>, vector<1x16xf32>,
        %swap3A_384 = vector.shape_cast %swap3A_383 : vector<1x16xf32> to vector<16xf32>
        %swap3A_385 = vector.shape_cast %add3A_380 : vector<16xf32> to vector<1x16xf32>
        tpu.vector_store %arg9[%swap3A_381, %swap3A_382], %swap3A_385 {strides = array<i32>} : memref<200x64xf32, #tpu.memory_space<vmem>>, vector<1x16xf32>,
        %get3A_386 = arith.index_cast %add3A_334 : i32 to index
        %get3A_387 = arith.constant 48 : index
        %get3A_388 = tpu.vector_load %arg9[%get3A_386, %get3A_387] {strides = array<i32>} : memref<200x64xf32, #tpu.memory_space<vmem>>, vector<1x16xf32>,
        %get3A_389 = vector.shape_cast %get3A_388 : vector<1x16xf32> to vector<16xf32>
        %mul3A_390 = arith.constant 8.000000e+00 : f32
        %mul3A_391 = vector.broadcast %mul3A_390 : f32 to vector<16xf32>
        %mul3A_392 = arith.mulf %get3A_389, %mul3A_391 : vector<16xf32>
        %get3A_393 = arith.index_cast %add3A_334 : i32 to index
        %get3A_394 = arith.constant 48 : index
        %get3A_395 = tpu.vector_load %arg7[%get3A_393, %get3A_394] {strides = array<i32>} : memref<200x64xf32, #tpu.memory_space<vmem>>, vector<1x16xf32>,
        %get3A_396 = vector.shape_cast %get3A_395 : vector<1x16xf32> to vector<16xf32>
        %add3A_397 = arith.addf %mul3A_392, %get3A_396 : vector<16xf32>
        %swap3A_398 = arith.index_cast %add3A_334 : i32 to index
        %swap3A_399 = arith.constant 48 : index
        %swap3A_400 = tpu.vector_load %arg9[%swap3A_398, %swap3A_399] {strides = array<i32>} : memref<200x64xf32, #tpu.memory_space<vmem>>, vector<1x16xf32>,
        %swap3A_401 = vector.shape_cast %swap3A_400 : vector<1x16xf32> to vector<16xf32>
        %swap3A_402 = vector.shape_cast %add3A_397 : vector<16xf32> to vector<1x16xf32>
        tpu.vector_store %arg9[%swap3A_398, %swap3A_399], %swap3A_402 {strides = array<i32>} : memref<200x64xf32, #tpu.memory_space<vmem>>, vector<1x16xf32>,
        %mul3A_403 = arith.constant 4 : i32
        %mul3A_404 = arith.muli %scan3A_260, %mul3A_403 : i32
        %add3A_405 = arith.constant 2 : i32
        %add3A_406 = arith.addi %mul3A_404, %add3A_405 : i32
        %get3A_407 = arith.index_cast %add3A_406 : i32 to index
        %get3A_408 = arith.constant 0 : index
        %get3A_409 = tpu.vector_load %arg9[%get3A_407, %get3A_408] {strides = array<i32>} : memref<200x64xf32, #tpu.memory_space<vmem>>, vector<1x16xf32>,
        %get3A_410 = vector.shape_cast %get3A_409 : vector<1x16xf32> to vector<16xf32>
        %mul3A_411 = arith.constant 8.000000e+00 : f32
        %mul3A_412 = vector.broadcast %mul3A_411 : f32 to vector<16xf32>
        %mul3A_413 = arith.mulf %get3A_410, %mul3A_412 : vector<16xf32>
        %get3A_414 = arith.index_cast %add3A_406 : i32 to index
        %get3A_415 = arith.constant 0 : index
        %get3A_416 = tpu.vector_load %arg7[%get3A_414, %get3A_415] {strides = array<i32>} : memref<200x64xf32, #tpu.memory_space<vmem>>, vector<1x16xf32>,
        %get3A_417 = vector.shape_cast %get3A_416 : vector<1x16xf32> to vector<16xf32>
        %add3A_418 = arith.addf %mul3A_413, %get3A_417 : vector<16xf32>
        %swap3A_419 = arith.index_cast %add3A_406 : i32 to index
        %swap3A_420 = arith.constant 0 : index
        %swap3A_421 = tpu.vector_load %arg9[%swap3A_419, %swap3A_420] {strides = array<i32>} : memref<200x64xf32, #tpu.memory_space<vmem>>, vector<1x16xf32>,
        %swap3A_422 = vector.shape_cast %swap3A_421 : vector<1x16xf32> to vector<16xf32>
        %swap3A_423 = vector.shape_cast %add3A_418 : vector<16xf32> to vector<1x16xf32>
        tpu.vector_store %arg9[%swap3A_419, %swap3A_420], %swap3A_423 {strides = array<i32>} : memref<200x64xf32, #tpu.memory_space<vmem>>, vector<1x16xf32>,
        %get3A_424 = arith.index_cast %add3A_406 : i32 to index
        %get3A_425 = arith.constant 16 : index
        %get3A_426 = tpu.vector_load %arg9[%get3A_424, %get3A_425] {strides = array<i32>} : memref<200x64xf32, #tpu.memory_space<vmem>>, vector<1x16xf32>,
        %get3A_427 = vector.shape_cast %get3A_426 : vector<1x16xf32> to vector<16xf32>
        %mul3A_428 = arith.constant 8.000000e+00 : f32
        %mul3A_429 = vector.broadcast %mul3A_428 : f32 to vector<16xf32>
        %mul3A_430 = arith.mulf %get3A_427, %mul3A_429 : vector<16xf32>
        %get3A_431 = arith.index_cast %add3A_406 : i32 to index
        %get3A_432 = arith.constant 16 : index
        %get3A_433 = tpu.vector_load %arg7[%get3A_431, %get3A_432] {strides = array<i32>} : memref<200x64xf32, #tpu.memory_space<vmem>>, vector<1x16xf32>,
        %get3A_434 = vector.shape_cast %get3A_433 : vector<1x16xf32> to vector<16xf32>
        %add3A_435 = arith.addf %mul3A_430, %get3A_434 : vector<16xf32>
        %swap3A_436 = arith.index_cast %add3A_406 : i32 to index
        %swap3A_437 = arith.constant 16 : index
        %swap3A_438 = tpu.vector_load %arg9[%swap3A_436, %swap3A_437] {strides = array<i32>} : memref<200x64xf32, #tpu.memory_space<vmem>>, vector<1x16xf32>,
        %swap3A_439 = vector.shape_cast %swap3A_438 : vector<1x16xf32> to vector<16xf32>
        %swap3A_440 = vector.shape_cast %add3A_435 : vector<16xf32> to vector<1x16xf32>
        tpu.vector_store %arg9[%swap3A_436, %swap3A_437], %swap3A_440 {strides = array<i32>} : memref<200x64xf32, #tpu.memory_space<vmem>>, vector<1x16xf32>,
        %get3A_441 = arith.index_cast %add3A_406 : i32 to index
        %get3A_442 = arith.constant 32 : index
        %get3A_443 = tpu.vector_load %arg9[%get3A_441, %get3A_442] {strides = array<i32>} : memref<200x64xf32, #tpu.memory_space<vmem>>, vector<1x16xf32>,
        %get3A_444 = vector.shape_cast %get3A_443 : vector<1x16xf32> to vector<16xf32>
        %mul3A_445 = arith.constant 8.000000e+00 : f32
        %mul3A_446 = vector.broadcast %mul3A_445 : f32 to vector<16xf32>
        %mul3A_447 = arith.mulf %get3A_444, %mul3A_446 : vector<16xf32>
        %get3A_448 = arith.index_cast %add3A_406 : i32 to index
        %get3A_449 = arith.constant 32 : index
        %get3A_450 = tpu.vector_load %arg7[%get3A_448, %get3A_449] {strides = array<i32>} : memref<200x64xf32, #tpu.memory_space<vmem>>, vector<1x16xf32>,
        %get3A_451 = vector.shape_cast %get3A_450 : vector<1x16xf32> to vector<16xf32>
        %add3A_452 = arith.addf %mul3A_447, %get3A_451 : vector<16xf32>
        %swap3A_453 = arith.index_cast %add3A_406 : i32 to index
        %swap3A_454 = arith.constant 32 : index
        %swap3A_455 = tpu.vector_load %arg9[%swap3A_453, %swap3A_454] {strides = array<i32>} : memref<200x64xf32, #tpu.memory_space<vmem>>, vector<1x16xf32>,
        %swap3A_456 = vector.shape_cast %swap3A_455 : vector<1x16xf32> to vector<16xf32>
        %swap3A_457 = vector.shape_cast %add3A_452 : vector<16xf32> to vector<1x16xf32>
        tpu.vector_store %arg9[%swap3A_453, %swap3A_454], %swap3A_457 {strides = array<i32>} : memref<200x64xf32, #tpu.memory_space<vmem>>, vector<1x16xf32>,
        %get3A_458 = arith.index_cast %add3A_406 : i32 to index
        %get3A_459 = arith.constant 48 : index
        %get3A_460 = tpu.vector_load %arg9[%get3A_458, %get3A_459] {strides = array<i32>} : memref<200x64xf32, #tpu.memory_space<vmem>>, vector<1x16xf32>,
        %get3A_461 = vector.shape_cast %get3A_460 : vector<1x16xf32> to vector<16xf32>
        %mul3A_462 = arith.constant 8.000000e+00 : f32
        %mul3A_463 = vector.broadcast %mul3A_462 : f32 to vector<16xf32>
        %mul3A_464 = arith.mulf %get3A_461, %mul3A_463 : vector<16xf32>
        %get3A_465 = arith.index_cast %add3A_406 : i32 to index
        %get3A_466 = arith.constant 48 : index
        %get3A_467 = tpu.vector_load %arg7[%get3A_465, %get3A_466] {strides = array<i32>} : memref<200x64xf32, #tpu.memory_space<vmem>>, vector<1x16xf32>,
        %get3A_468 = vector.shape_cast %get3A_467 : vector<1x16xf32> to vector<16xf32>
        %add3A_469 = arith.addf %mul3A_464, %get3A_468 : vector<16xf32>
        %swap3A_470 = arith.index_cast %add3A_406 : i32 to index
        %swap3A_471 = arith.constant 48 : index
        %swap3A_472 = tpu.vector_load %arg9[%swap3A_470, %swap3A_471] {strides = array<i32>} : memref<200x64xf32, #tpu.memory_space<vmem>>, vector<1x16xf32>,
        %swap3A_473 = vector.shape_cast %swap3A_472 : vector<1x16xf32> to vector<16xf32>
        %swap3A_474 = vector.shape_cast %add3A_469 : vector<16xf32> to vector<1x16xf32>
        tpu.vector_store %arg9[%swap3A_470, %swap3A_471], %swap3A_474 {strides = array<i32>} : memref<200x64xf32, #tpu.memory_space<vmem>>, vector<1x16xf32>,
        %mul3A_475 = arith.constant 4 : i32
        %mul3A_476 = arith.muli %scan3A_260, %mul3A_475 : i32
        %add3A_477 = arith.constant 3 : i32
        %add3A_478 = arith.addi %mul3A_476, %add3A_477 : i32
        %get3A_479 = arith.index_cast %add3A_478 : i32 to index
        %get3A_480 = arith.constant 0 : index
        %get3A_481 = tpu.vector_load %arg9[%get3A_479, %get3A_480] {strides = array<i32>} : memref<200x64xf32, #tpu.memory_space<vmem>>, vector<1x16xf32>,
        %get3A_482 = vector.shape_cast %get3A_481 : vector<1x16xf32> to vector<16xf32>
        %mul3A_483 = arith.constant 8.000000e+00 : f32
        %mul3A_484 = vector.broadcast %mul3A_483 : f32 to vector<16xf32>
        %mul3A_485 = arith.mulf %get3A_482, %mul3A_484 : vector<16xf32>
        %get3A_486 = arith.index_cast %add3A_478 : i32 to index
        %get3A_487 = arith.constant 0 : index
        %get3A_488 = tpu.vector_load %arg7[%get3A_486, %get3A_487] {strides = array<i32>} : memref<200x64xf32, #tpu.memory_space<vmem>>, vector<1x16xf32>,
        %get3A_489 = vector.shape_cast %get3A_488 : vector<1x16xf32> to vector<16xf32>
        %add3A_490 = arith.addf %mul3A_485, %get3A_489 : vector<16xf32>
        %swap3A_491 = arith.index_cast %add3A_478 : i32 to index
        %swap3A_492 = arith.constant 0 : index
        %swap3A_493 = tpu.vector_load %arg9[%swap3A_491, %swap3A_492] {strides = array<i32>} : memref<200x64xf32, #tpu.memory_space<vmem>>, vector<1x16xf32>,
        %swap3A_494 = vector.shape_cast %swap3A_493 : vector<1x16xf32> to vector<16xf32>
        %swap3A_495 = vector.shape_cast %add3A_490 : vector<16xf32> to vector<1x16xf32>
        tpu.vector_store %arg9[%swap3A_491, %swap3A_492], %swap3A_495 {strides = array<i32>} : memref<200x64xf32, #tpu.memory_space<vmem>>, vector<1x16xf32>,
        %get3A_496 = arith.index_cast %add3A_478 : i32 to index
        %get3A_497 = arith.constant 16 : index
        %get3A_498 = tpu.vector_load %arg9[%get3A_496, %get3A_497] {strides = array<i32>} : memref<200x64xf32, #tpu.memory_space<vmem>>, vector<1x16xf32>,
        %get3A_499 = vector.shape_cast %get3A_498 : vector<1x16xf32> to vector<16xf32>
        %mul3A_500 = arith.constant 8.000000e+00 : f32
        %mul3A_501 = vector.broadcast %mul3A_500 : f32 to vector<16xf32>
        %mul3A_502 = arith.mulf %get3A_499, %mul3A_501 : vector<16xf32>
        %get3A_503 = arith.index_cast %add3A_478 : i32 to index
        %get3A_504 = arith.constant 16 : index
        %get3A_505 = tpu.vector_load %arg7[%get3A_503, %get3A_504] {strides = array<i32>} : memref<200x64xf32, #tpu.memory_space<vmem>>, vector<1x16xf32>,
        %get3A_506 = vector.shape_cast %get3A_505 : vector<1x16xf32> to vector<16xf32>
        %add3A_507 = arith.addf %mul3A_502, %get3A_506 : vector<16xf32>
        %swap3A_508 = arith.index_cast %add3A_478 : i32 to index
        %swap3A_509 = arith.constant 16 : index
        %swap3A_510 = tpu.vector_load %arg9[%swap3A_508, %swap3A_509] {strides = array<i32>} : memref<200x64xf32, #tpu.memory_space<vmem>>, vector<1x16xf32>,
        %swap3A_511 = vector.shape_cast %swap3A_510 : vector<1x16xf32> to vector<16xf32>
        %swap3A_512 = vector.shape_cast %add3A_507 : vector<16xf32> to vector<1x16xf32>
        tpu.vector_store %arg9[%swap3A_508, %swap3A_509], %swap3A_512 {strides = array<i32>} : memref<200x64xf32, #tpu.memory_space<vmem>>, vector<1x16xf32>,
        %get3A_513 = arith.index_cast %add3A_478 : i32 to index
        %get3A_514 = arith.constant 32 : index
        %get3A_515 = tpu.vector_load %arg9[%get3A_513, %get3A_514] {strides = array<i32>} : memref<200x64xf32, #tpu.memory_space<vmem>>, vector<1x16xf32>,
        %get3A_516 = vector.shape_cast %get3A_515 : vector<1x16xf32> to vector<16xf32>
        %mul3A_517 = arith.constant 8.000000e+00 : f32
        %mul3A_518 = vector.broadcast %mul3A_517 : f32 to vector<16xf32>
        %mul3A_519 = arith.mulf %get3A_516, %mul3A_518 : vector<16xf32>
        %get3A_520 = arith.index_cast %add3A_478 : i32 to index
        %get3A_521 = arith.constant 32 : index
        %get3A_522 = tpu.vector_load %arg7[%get3A_520, %get3A_521] {strides = array<i32>} : memref<200x64xf32, #tpu.memory_space<vmem>>, vector<1x16xf32>,
        %get3A_523 = vector.shape_cast %get3A_522 : vector<1x16xf32> to vector<16xf32>
        %add3A_524 = arith.addf %mul3A_519, %get3A_523 : vector<16xf32>
        %swap3A_525 = arith.index_cast %add3A_478 : i32 to index
        %swap3A_526 = arith.constant 32 : index
        %swap3A_527 = tpu.vector_load %arg9[%swap3A_525, %swap3A_526] {strides = array<i32>} : memref<200x64xf32, #tpu.memory_space<vmem>>, vector<1x16xf32>,
        %swap3A_528 = vector.shape_cast %swap3A_527 : vector<1x16xf32> to vector<16xf32>
        %swap3A_529 = vector.shape_cast %add3A_524 : vector<16xf32> to vector<1x16xf32>
        tpu.vector_store %arg9[%swap3A_525, %swap3A_526], %swap3A_529 {strides = array<i32>} : memref<200x64xf32, #tpu.memory_space<vmem>>, vector<1x16xf32>,
        %get3A_530 = arith.index_cast %add3A_478 : i32 to index
        %get3A_531 = arith.constant 48 : index
        %get3A_532 = tpu.vector_load %arg9[%get3A_530, %get3A_531] {strides = array<i32>} : memref<200x64xf32, #tpu.memory_space<vmem>>, vector<1x16xf32>,
        %get3A_533 = vector.shape_cast %get3A_532 : vector<1x16xf32> to vector<16xf32>
        %mul3A_534 = arith.constant 8.000000e+00 : f32
        %mul3A_535 = vector.broadcast %mul3A_534 : f32 to vector<16xf32>
        %mul3A_536 = arith.mulf %get3A_533, %mul3A_535 : vector<16xf32>
        %get3A_537 = arith.index_cast %add3A_478 : i32 to index
        %get3A_538 = arith.constant 48 : index
        %get3A_539 = tpu.vector_load %arg7[%get3A_537, %get3A_538] {strides = array<i32>} : memref<200x64xf32, #tpu.memory_space<vmem>>, vector<1x16xf32>,
        %get3A_540 = vector.shape_cast %get3A_539 : vector<1x16xf32> to vector<16xf32>
        %add3A_541 = arith.addf %mul3A_536, %get3A_540 : vector<16xf32>
        %swap3A_542 = arith.index_cast %add3A_478 : i32 to index
        %swap3A_543 = arith.constant 48 : index
        %swap3A_544 = tpu.vector_load %arg9[%swap3A_542, %swap3A_543] {strides = array<i32>} : memref<200x64xf32, #tpu.memory_space<vmem>>, vector<1x16xf32>,
        %swap3A_545 = vector.shape_cast %swap3A_544 : vector<1x16xf32> to vector<16xf32>
        %swap3A_546 = vector.shape_cast %add3A_541 : vector<16xf32> to vector<1x16xf32>
        tpu.vector_store %arg9[%swap3A_542, %swap3A_543], %swap3A_546 {strides = array<i32>} : memref<200x64xf32, #tpu.memory_space<vmem>>, vector<1x16xf32>,
      }
      %scan3A_184 = arith.constant 50 : i32
      %add3A_185 = arith.addi %mul3A_2, %add3A_165 : i32
      %dma_start3A_186 = arith.constant 0 : i32
      %dma_start3A_187 = arith.constant 0 : i32
      %dma_start3A_188 = tpu.memref_slice %arg5[%add3A_185, %dma_start3A_186, %dma_start3A_187] : memref<1024x200x64xf32, #tpu.memory_space<hbm>> -> memref<1x200x64xf32, #tpu.memory_space<hbm>>
      %dma_start3A_189 = tpu.memref_squeeze %dma_start3A_188 : memref<1x200x64xf32, #tpu.memory_space<hbm>> -> memref<200x64xf32, #tpu.memory_space<hbm>>
      %dma_start3A_190 = arith.constant 0 : i32
      %dma_start3A_191 = arith.constant 0 : i32
      %dma_start3A_192 = tpu.memref_slice %arg5[%add3A_185, %dma_start3A_190, %dma_start3A_191] : memref<1024x200x64xf32, #tpu.memory_space<hbm>> -> memref<1x200x64xf32, #tpu.memory_space<hbm>>
      %dma_start3A_193 = tpu.memref_squeeze %dma_start3A_192 : memref<1x200x64xf32, #tpu.memory_space<hbm>> -> memref<200x64xf32, #tpu.memory_space<hbm>>
      tpu.enqueue_dma source(%arg9 : memref<200x64xf32, #tpu.memory_space<vmem>>) target(%dma_start3A_193 : memref<200x64xf32, #tpu.memory_space<hbm>>) target_semaphore(%arg17 : memref<!tpu.dma_semaphore, #tpu.memory_space<semaphore_mem>>)
      %mul3A_194 = arith.constant 4 : i32
      %mul3A_195 = arith.muli %mul3A_194, %scan3A_108 : i32
      %add3A_196 = arith.constant 2 : i32
      %add3A_197 = arith.addi %mul3A_195, %add3A_196 : i32
      %le3A_198 = arith.constant 6 : i32
      %le3A_199 = arith.cmpi sle, %scan3A_108, %le3A_198 : i32
      %convert_element_type3A_200 = arith.extui %le3A_199 : i1 to i32
      %cond3A_201 = arith.constant 0 : i32
      %cond3A_202 = arith.cmpi ne, %convert_element_type3A_200, %cond3A_201 : i32
      scf.if %cond3A_202 {
        %dma_wait3A_260 = arith.constant 0 : i32
        %dma_wait3A_261 = arith.constant 0 : i32
        %dma_wait3A_262 = arith.constant 0 : i32
        %dma_wait3A_263 = tpu.memref_slice %arg5[%dma_wait3A_260, %dma_wait3A_261, %dma_wait3A_262] : memref<1024x200x64xf32, #tpu.memory_space<hbm>> -> memref<1x200x64xf32, #tpu.memory_space<hbm>>
        %dma_wait3A_264 = tpu.memref_squeeze %dma_wait3A_263 : memref<1x200x64xf32, #tpu.memory_space<hbm>> -> memref<200x64xf32, #tpu.memory_space<hbm>>
        %dma_wait3A_265 = arith.constant 0 : i32
        %dma_wait3A_266 = arith.constant 0 : i32
        %dma_wait3A_267 = tpu.memref_slice %arg5[%dma_wait3A_260, %dma_wait3A_265, %dma_wait3A_266] : memref<1024x200x64xf32, #tpu.memory_space<hbm>> -> memref<1x200x64xf32, #tpu.memory_space<hbm>>
        %dma_wait3A_268 = tpu.memref_squeeze %dma_wait3A_267 : memref<1x200x64xf32, #tpu.memory_space<hbm>> -> memref<200x64xf32, #tpu.memory_space<hbm>>
        tpu.wait_dma2 semaphore(%arg17 : memref<!tpu.dma_semaphore, #tpu.memory_space<semaphore_mem>>) src(%arg9 : memref<200x64xf32, #tpu.memory_space<vmem>>) dst(%dma_wait3A_268 : memref<200x64xf32, #tpu.memory_space<hbm>>)
        %add3A_269 = arith.constant 4 : i32
        %add3A_270 = arith.addi %add3A_197, %add3A_269 : i32
        %sub3A_271 = arith.constant 1 : i32
        %sub3A_272 = arith.subi %add3A_270, %sub3A_271 : i32
        %dma_start3A_273 = arith.constant 0 : i32
        %dma_start3A_274 = arith.constant 0 : i32
        %dma_start3A_275 = arith.constant 0 : i32
        %dma_start3A_276 = tpu.memref_slice %arg9[%dma_start3A_274, %dma_start3A_275] : memref<200x64xf32, #tpu.memory_space<vmem>> -> memref<100x64xf32, #tpu.memory_space<vmem>>
        %dma_start3A_277 = arith.constant 0 : i32
        %dma_start3A_278 = tpu.memref_slice %arg6[%sub3A_272, %dma_start3A_273, %dma_start3A_277] : memref<32x2x100xi32, #tpu.memory_space<vmem>> -> memref<1x1x100xi32, #tpu.memory_space<vmem>>
        %dma_start3A_279 = tpu.memref_squeeze %dma_start3A_278 : memref<1x1x100xi32, #tpu.memory_space<vmem>> -> memref<100xi32, #tpu.memory_space<vmem>>
        %dma_start3A_280 = arith.constant 0 : i32
        %dma_start3A_281 = arith.constant 0 : i32
        %dma_start3A_282 = tpu.memref_slice %arg3[%dma_start3A_280, %dma_start3A_281] : memref<200000x64xf32, #tpu.memory_space<hbm>> -> memref<200000x64xf32, #tpu.memory_space<hbm>>
        tpu.enqueue_indirect_dma source(%dma_start3A_282 : memref<200000x64xf32, #tpu.memory_space<hbm>>) target(%dma_start3A_276 : memref<100x64xf32, #tpu.memory_space<vmem>>) offsets(%dma_start3A_279 : memref<100xi32, #tpu.memory_space<vmem>>) semaphore(%arg13 : memref<!tpu.dma_semaphore, #tpu.memory_space<semaphore_mem>>)
        %dma_start3A_283 = arith.constant 1 : i32
        %dma_start3A_284 = arith.constant 100 : i32
        %dma_start3A_285 = arith.constant 0 : i32
        %dma_start3A_286 = tpu.memref_slice %arg9[%dma_start3A_284, %dma_start3A_285] : memref<200x64xf32, #tpu.memory_space<vmem>> -> memref<100x64xf32, #tpu.memory_space<vmem>>
        %dma_start3A_287 = arith.constant 0 : i32
        %dma_start3A_288 = tpu.memref_slice %arg6[%sub3A_272, %dma_start3A_283, %dma_start3A_287] : memref<32x2x100xi32, #tpu.memory_space<vmem>> -> memref<1x1x100xi32, #tpu.memory_space<vmem>>
        %dma_start3A_289 = tpu.memref_squeeze %dma_start3A_288 : memref<1x1x100xi32, #tpu.memory_space<vmem>> -> memref<100xi32, #tpu.memory_space<vmem>>
        %dma_start3A_290 = arith.constant 0 : i32
        %dma_start3A_291 = arith.constant 0 : i32
        %dma_start3A_292 = tpu.memref_slice %arg3[%dma_start3A_290, %dma_start3A_291] : memref<200000x64xf32, #tpu.memory_space<hbm>> -> memref<200000x64xf32, #tpu.memory_space<hbm>>
        tpu.enqueue_indirect_dma source(%dma_start3A_292 : memref<200000x64xf32, #tpu.memory_space<hbm>>) target(%dma_start3A_286 : memref<100x64xf32, #tpu.memory_space<vmem>>) offsets(%dma_start3A_289 : memref<100xi32, #tpu.memory_space<vmem>>) semaphore(%arg13 : memref<!tpu.dma_semaphore, #tpu.memory_space<semaphore_mem>>)
      } else {
      }
      %dma_wait3A_203 = arith.constant 0 : i32
      %dma_wait3A_204 = arith.constant 0 : i32
      %dma_wait3A_205 = arith.constant 0 : i32
      %dma_wait3A_206 = tpu.memref_slice %arg5[%dma_wait3A_203, %dma_wait3A_204, %dma_wait3A_205] : memref<1024x200x64xf32, #tpu.memory_space<hbm>> -> memref<1x200x64xf32, #tpu.memory_space<hbm>>
      %dma_wait3A_207 = tpu.memref_squeeze %dma_wait3A_206 : memref<1x200x64xf32, #tpu.memory_space<hbm>> -> memref<200x64xf32, #tpu.memory_space<hbm>>
      %dma_wait3A_208 = arith.constant 0 : i32
      %dma_wait3A_209 = arith.constant 0 : i32
      %dma_wait3A_210 = tpu.memref_slice %arg5[%dma_wait3A_203, %dma_wait3A_208, %dma_wait3A_209] : memref<1024x200x64xf32, #tpu.memory_space<hbm>> -> memref<1x200x64xf32, #tpu.memory_space<hbm>>
      %dma_wait3A_211 = tpu.memref_squeeze %dma_wait3A_210 : memref<1x200x64xf32, #tpu.memory_space<hbm>> -> memref<200x64xf32, #tpu.memory_space<hbm>>
      tpu.wait_dma2 semaphore(%arg14 : memref<!tpu.dma_semaphore, #tpu.memory_space<semaphore_mem>>) src(%dma_wait3A_211 : memref<200x64xf32, #tpu.memory_space<hbm>>) dst(%arg10 : memref<200x64xf32, #tpu.memory_space<vmem>>)
      %scan3A_212 = arith.constant 0 : i32
      %scan3A_213 = arith.constant 0 : i32
      %scan3A_214 = arith.constant 50 : i32
      %scan3A_215 = arith.addi %scan3A_213, %scan3A_214 : i32
      %scan3A_216 = arith.constant 1 : i32
      scf.for %scan3A_260 = %scan3A_213 to %scan3A_215 step %scan3A_216  : i32 {
        %mul3A_261 = arith.constant 4 : i32
        %mul3A_262 = arith.muli %scan3A_260, %mul3A_261 : i32
        %add3A_263 = arith.constant 0 : i32
        %add3A_264 = arith.addi %mul3A_262, %add3A_263 : i32
        %get3A = arith.index_cast %add3A_264 : i32 to index
        %get3A_265 = arith.constant 0 : index
        %get3A_266 = tpu.vector_load %arg10[%get3A, %get3A_265] {strides = array<i32>} : memref<200x64xf32, #tpu.memory_space<vmem>>, vector<1x16xf32>,
        %get3A_267 = vector.shape_cast %get3A_266 : vector<1x16xf32> to vector<16xf32>
        %mul3A_268 = arith.constant 8.000000e+00 : f32
        %mul3A_269 = vector.broadcast %mul3A_268 : f32 to vector<16xf32>
        %mul3A_270 = arith.mulf %get3A_267, %mul3A_269 : vector<16xf32>
        %get3A_271 = arith.index_cast %add3A_264 : i32 to index
        %get3A_272 = arith.constant 0 : index
        %get3A_273 = tpu.vector_load %arg7[%get3A_271, %get3A_272] {strides = array<i32>} : memref<200x64xf32, #tpu.memory_space<vmem>>, vector<1x16xf32>,
        %get3A_274 = vector.shape_cast %get3A_273 : vector<1x16xf32> to vector<16xf32>
        %add3A_275 = arith.addf %mul3A_270, %get3A_274 : vector<16xf32>
        %swap3A = arith.index_cast %add3A_264 : i32 to index
        %swap3A_276 = arith.constant 0 : index
        %swap3A_277 = tpu.vector_load %arg10[%swap3A, %swap3A_276] {strides = array<i32>} : memref<200x64xf32, #tpu.memory_space<vmem>>, vector<1x16xf32>,
        %swap3A_278 = vector.shape_cast %swap3A_277 : vector<1x16xf32> to vector<16xf32>
        %swap3A_279 = vector.shape_cast %add3A_275 : vector<16xf32> to vector<1x16xf32>
        tpu.vector_store %arg10[%swap3A, %swap3A_276], %swap3A_279 {strides = array<i32>} : memref<200x64xf32, #tpu.memory_space<vmem>>, vector<1x16xf32>,
        %get3A_280 = arith.index_cast %add3A_264 : i32 to index
        %get3A_281 = arith.constant 16 : index
        %get3A_282 = tpu.vector_load %arg10[%get3A_280, %get3A_281] {strides = array<i32>} : memref<200x64xf32, #tpu.memory_space<vmem>>, vector<1x16xf32>,
        %get3A_283 = vector.shape_cast %get3A_282 : vector<1x16xf32> to vector<16xf32>
        %mul3A_284 = arith.constant 8.000000e+00 : f32
        %mul3A_285 = vector.broadcast %mul3A_284 : f32 to vector<16xf32>
        %mul3A_286 = arith.mulf %get3A_283, %mul3A_285 : vector<16xf32>
        %get3A_287 = arith.index_cast %add3A_264 : i32 to index
        %get3A_288 = arith.constant 16 : index
        %get3A_289 = tpu.vector_load %arg7[%get3A_287, %get3A_288] {strides = array<i32>} : memref<200x64xf32, #tpu.memory_space<vmem>>, vector<1x16xf32>,
        %get3A_290 = vector.shape_cast %get3A_289 : vector<1x16xf32> to vector<16xf32>
        %add3A_291 = arith.addf %mul3A_286, %get3A_290 : vector<16xf32>
        %swap3A_292 = arith.index_cast %add3A_264 : i32 to index
        %swap3A_293 = arith.constant 16 : index
        %swap3A_294 = tpu.vector_load %arg10[%swap3A_292, %swap3A_293] {strides = array<i32>} : memref<200x64xf32, #tpu.memory_space<vmem>>, vector<1x16xf32>,
        %swap3A_295 = vector.shape_cast %swap3A_294 : vector<1x16xf32> to vector<16xf32>
        %swap3A_296 = vector.shape_cast %add3A_291 : vector<16xf32> to vector<1x16xf32>
        tpu.vector_store %arg10[%swap3A_292, %swap3A_293], %swap3A_296 {strides = array<i32>} : memref<200x64xf32, #tpu.memory_space<vmem>>, vector<1x16xf32>,
        %get3A_297 = arith.index_cast %add3A_264 : i32 to index
        %get3A_298 = arith.constant 32 : index
        %get3A_299 = tpu.vector_load %arg10[%get3A_297, %get3A_298] {strides = array<i32>} : memref<200x64xf32, #tpu.memory_space<vmem>>, vector<1x16xf32>,
        %get3A_300 = vector.shape_cast %get3A_299 : vector<1x16xf32> to vector<16xf32>
        %mul3A_301 = arith.constant 8.000000e+00 : f32
        %mul3A_302 = vector.broadcast %mul3A_301 : f32 to vector<16xf32>
        %mul3A_303 = arith.mulf %get3A_300, %mul3A_302 : vector<16xf32>
        %get3A_304 = arith.index_cast %add3A_264 : i32 to index
        %get3A_305 = arith.constant 32 : index
        %get3A_306 = tpu.vector_load %arg7[%get3A_304, %get3A_305] {strides = array<i32>} : memref<200x64xf32, #tpu.memory_space<vmem>>, vector<1x16xf32>,
        %get3A_307 = vector.shape_cast %get3A_306 : vector<1x16xf32> to vector<16xf32>
        %add3A_308 = arith.addf %mul3A_303, %get3A_307 : vector<16xf32>
        %swap3A_309 = arith.index_cast %add3A_264 : i32 to index
        %swap3A_310 = arith.constant 32 : index
        %swap3A_311 = tpu.vector_load %arg10[%swap3A_309, %swap3A_310] {strides = array<i32>} : memref<200x64xf32, #tpu.memory_space<vmem>>, vector<1x16xf32>,
        %swap3A_312 = vector.shape_cast %swap3A_311 : vector<1x16xf32> to vector<16xf32>
        %swap3A_313 = vector.shape_cast %add3A_308 : vector<16xf32> to vector<1x16xf32>
        tpu.vector_store %arg10[%swap3A_309, %swap3A_310], %swap3A_313 {strides = array<i32>} : memref<200x64xf32, #tpu.memory_space<vmem>>, vector<1x16xf32>,
        %get3A_314 = arith.index_cast %add3A_264 : i32 to index
        %get3A_315 = arith.constant 48 : index
        %get3A_316 = tpu.vector_load %arg10[%get3A_314, %get3A_315] {strides = array<i32>} : memref<200x64xf32, #tpu.memory_space<vmem>>, vector<1x16xf32>,
        %get3A_317 = vector.shape_cast %get3A_316 : vector<1x16xf32> to vector<16xf32>
        %mul3A_318 = arith.constant 8.000000e+00 : f32
        %mul3A_319 = vector.broadcast %mul3A_318 : f32 to vector<16xf32>
        %mul3A_320 = arith.mulf %get3A_317, %mul3A_319 : vector<16xf32>
        %get3A_321 = arith.index_cast %add3A_264 : i32 to index
        %get3A_322 = arith.constant 48 : index
        %get3A_323 = tpu.vector_load %arg7[%get3A_321, %get3A_322] {strides = array<i32>} : memref<200x64xf32, #tpu.memory_space<vmem>>, vector<1x16xf32>,
        %get3A_324 = vector.shape_cast %get3A_323 : vector<1x16xf32> to vector<16xf32>
        %add3A_325 = arith.addf %mul3A_320, %get3A_324 : vector<16xf32>
        %swap3A_326 = arith.index_cast %add3A_264 : i32 to index
        %swap3A_327 = arith.constant 48 : index
        %swap3A_328 = tpu.vector_load %arg10[%swap3A_326, %swap3A_327] {strides = array<i32>} : memref<200x64xf32, #tpu.memory_space<vmem>>, vector<1x16xf32>,
        %swap3A_329 = vector.shape_cast %swap3A_328 : vector<1x16xf32> to vector<16xf32>
        %swap3A_330 = vector.shape_cast %add3A_325 : vector<16xf32> to vector<1x16xf32>
        tpu.vector_store %arg10[%swap3A_326, %swap3A_327], %swap3A_330 {strides = array<i32>} : memref<200x64xf32, #tpu.memory_space<vmem>>, vector<1x16xf32>,
        %mul3A_331 = arith.constant 4 : i32
        %mul3A_332 = arith.muli %scan3A_260, %mul3A_331 : i32
        %add3A_333 = arith.constant 1 : i32
        %add3A_334 = arith.addi %mul3A_332, %add3A_333 : i32
        %get3A_335 = arith.index_cast %add3A_334 : i32 to index
        %get3A_336 = arith.constant 0 : index
        %get3A_337 = tpu.vector_load %arg10[%get3A_335, %get3A_336] {strides = array<i32>} : memref<200x64xf32, #tpu.memory_space<vmem>>, vector<1x16xf32>,
        %get3A_338 = vector.shape_cast %get3A_337 : vector<1x16xf32> to vector<16xf32>
        %mul3A_339 = arith.constant 8.000000e+00 : f32
        %mul3A_340 = vector.broadcast %mul3A_339 : f32 to vector<16xf32>
        %mul3A_341 = arith.mulf %get3A_338, %mul3A_340 : vector<16xf32>
        %get3A_342 = arith.index_cast %add3A_334 : i32 to index
        %get3A_343 = arith.constant 0 : index
        %get3A_344 = tpu.vector_load %arg7[%get3A_342, %get3A_343] {strides = array<i32>} : memref<200x64xf32, #tpu.memory_space<vmem>>, vector<1x16xf32>,
        %get3A_345 = vector.shape_cast %get3A_344 : vector<1x16xf32> to vector<16xf32>
        %add3A_346 = arith.addf %mul3A_341, %get3A_345 : vector<16xf32>
        %swap3A_347 = arith.index_cast %add3A_334 : i32 to index
        %swap3A_348 = arith.constant 0 : index
        %swap3A_349 = tpu.vector_load %arg10[%swap3A_347, %swap3A_348] {strides = array<i32>} : memref<200x64xf32, #tpu.memory_space<vmem>>, vector<1x16xf32>,
        %swap3A_350 = vector.shape_cast %swap3A_349 : vector<1x16xf32> to vector<16xf32>
        %swap3A_351 = vector.shape_cast %add3A_346 : vector<16xf32> to vector<1x16xf32>
        tpu.vector_store %arg10[%swap3A_347, %swap3A_348], %swap3A_351 {strides = array<i32>} : memref<200x64xf32, #tpu.memory_space<vmem>>, vector<1x16xf32>,
        %get3A_352 = arith.index_cast %add3A_334 : i32 to index
        %get3A_353 = arith.constant 16 : index
        %get3A_354 = tpu.vector_load %arg10[%get3A_352, %get3A_353] {strides = array<i32>} : memref<200x64xf32, #tpu.memory_space<vmem>>, vector<1x16xf32>,
        %get3A_355 = vector.shape_cast %get3A_354 : vector<1x16xf32> to vector<16xf32>
        %mul3A_356 = arith.constant 8.000000e+00 : f32
        %mul3A_357 = vector.broadcast %mul3A_356 : f32 to vector<16xf32>
        %mul3A_358 = arith.mulf %get3A_355, %mul3A_357 : vector<16xf32>
        %get3A_359 = arith.index_cast %add3A_334 : i32 to index
        %get3A_360 = arith.constant 16 : index
        %get3A_361 = tpu.vector_load %arg7[%get3A_359, %get3A_360] {strides = array<i32>} : memref<200x64xf32, #tpu.memory_space<vmem>>, vector<1x16xf32>,
        %get3A_362 = vector.shape_cast %get3A_361 : vector<1x16xf32> to vector<16xf32>
        %add3A_363 = arith.addf %mul3A_358, %get3A_362 : vector<16xf32>
        %swap3A_364 = arith.index_cast %add3A_334 : i32 to index
        %swap3A_365 = arith.constant 16 : index
        %swap3A_366 = tpu.vector_load %arg10[%swap3A_364, %swap3A_365] {strides = array<i32>} : memref<200x64xf32, #tpu.memory_space<vmem>>, vector<1x16xf32>,
        %swap3A_367 = vector.shape_cast %swap3A_366 : vector<1x16xf32> to vector<16xf32>
        %swap3A_368 = vector.shape_cast %add3A_363 : vector<16xf32> to vector<1x16xf32>
        tpu.vector_store %arg10[%swap3A_364, %swap3A_365], %swap3A_368 {strides = array<i32>} : memref<200x64xf32, #tpu.memory_space<vmem>>, vector<1x16xf32>,
        %get3A_369 = arith.index_cast %add3A_334 : i32 to index
        %get3A_370 = arith.constant 32 : index
        %get3A_371 = tpu.vector_load %arg10[%get3A_369, %get3A_370] {strides = array<i32>} : memref<200x64xf32, #tpu.memory_space<vmem>>, vector<1x16xf32>,
        %get3A_372 = vector.shape_cast %get3A_371 : vector<1x16xf32> to vector<16xf32>
        %mul3A_373 = arith.constant 8.000000e+00 : f32
        %mul3A_374 = vector.broadcast %mul3A_373 : f32 to vector<16xf32>
        %mul3A_375 = arith.mulf %get3A_372, %mul3A_374 : vector<16xf32>
        %get3A_376 = arith.index_cast %add3A_334 : i32 to index
        %get3A_377 = arith.constant 32 : index
        %get3A_378 = tpu.vector_load %arg7[%get3A_376, %get3A_377] {strides = array<i32>} : memref<200x64xf32, #tpu.memory_space<vmem>>, vector<1x16xf32>,
        %get3A_379 = vector.shape_cast %get3A_378 : vector<1x16xf32> to vector<16xf32>
        %add3A_380 = arith.addf %mul3A_375, %get3A_379 : vector<16xf32>
        %swap3A_381 = arith.index_cast %add3A_334 : i32 to index
        %swap3A_382 = arith.constant 32 : index
        %swap3A_383 = tpu.vector_load %arg10[%swap3A_381, %swap3A_382] {strides = array<i32>} : memref<200x64xf32, #tpu.memory_space<vmem>>, vector<1x16xf32>,
        %swap3A_384 = vector.shape_cast %swap3A_383 : vector<1x16xf32> to vector<16xf32>
        %swap3A_385 = vector.shape_cast %add3A_380 : vector<16xf32> to vector<1x16xf32>
        tpu.vector_store %arg10[%swap3A_381, %swap3A_382], %swap3A_385 {strides = array<i32>} : memref<200x64xf32, #tpu.memory_space<vmem>>, vector<1x16xf32>,
        %get3A_386 = arith.index_cast %add3A_334 : i32 to index
        %get3A_387 = arith.constant 48 : index
        %get3A_388 = tpu.vector_load %arg10[%get3A_386, %get3A_387] {strides = array<i32>} : memref<200x64xf32, #tpu.memory_space<vmem>>, vector<1x16xf32>,
        %get3A_389 = vector.shape_cast %get3A_388 : vector<1x16xf32> to vector<16xf32>
        %mul3A_390 = arith.constant 8.000000e+00 : f32
        %mul3A_391 = vector.broadcast %mul3A_390 : f32 to vector<16xf32>
        %mul3A_392 = arith.mulf %get3A_389, %mul3A_391 : vector<16xf32>
        %get3A_393 = arith.index_cast %add3A_334 : i32 to index
        %get3A_394 = arith.constant 48 : index
        %get3A_395 = tpu.vector_load %arg7[%get3A_393, %get3A_394] {strides = array<i32>} : memref<200x64xf32, #tpu.memory_space<vmem>>, vector<1x16xf32>,
        %get3A_396 = vector.shape_cast %get3A_395 : vector<1x16xf32> to vector<16xf32>
        %add3A_397 = arith.addf %mul3A_392, %get3A_396 : vector<16xf32>
        %swap3A_398 = arith.index_cast %add3A_334 : i32 to index
        %swap3A_399 = arith.constant 48 : index
        %swap3A_400 = tpu.vector_load %arg10[%swap3A_398, %swap3A_399] {strides = array<i32>} : memref<200x64xf32, #tpu.memory_space<vmem>>, vector<1x16xf32>,
        %swap3A_401 = vector.shape_cast %swap3A_400 : vector<1x16xf32> to vector<16xf32>
        %swap3A_402 = vector.shape_cast %add3A_397 : vector<16xf32> to vector<1x16xf32>
        tpu.vector_store %arg10[%swap3A_398, %swap3A_399], %swap3A_402 {strides = array<i32>} : memref<200x64xf32, #tpu.memory_space<vmem>>, vector<1x16xf32>,
        %mul3A_403 = arith.constant 4 : i32
        %mul3A_404 = arith.muli %scan3A_260, %mul3A_403 : i32
        %add3A_405 = arith.constant 2 : i32
        %add3A_406 = arith.addi %mul3A_404, %add3A_405 : i32
        %get3A_407 = arith.index_cast %add3A_406 : i32 to index
        %get3A_408 = arith.constant 0 : index
        %get3A_409 = tpu.vector_load %arg10[%get3A_407, %get3A_408] {strides = array<i32>} : memref<200x64xf32, #tpu.memory_space<vmem>>, vector<1x16xf32>,
        %get3A_410 = vector.shape_cast %get3A_409 : vector<1x16xf32> to vector<16xf32>
        %mul3A_411 = arith.constant 8.000000e+00 : f32
        %mul3A_412 = vector.broadcast %mul3A_411 : f32 to vector<16xf32>
        %mul3A_413 = arith.mulf %get3A_410, %mul3A_412 : vector<16xf32>
        %get3A_414 = arith.index_cast %add3A_406 : i32 to index
        %get3A_415 = arith.constant 0 : index
        %get3A_416 = tpu.vector_load %arg7[%get3A_414, %get3A_415] {strides = array<i32>} : memref<200x64xf32, #tpu.memory_space<vmem>>, vector<1x16xf32>,
        %get3A_417 = vector.shape_cast %get3A_416 : vector<1x16xf32> to vector<16xf32>
        %add3A_418 = arith.addf %mul3A_413, %get3A_417 : vector<16xf32>
        %swap3A_419 = arith.index_cast %add3A_406 : i32 to index
        %swap3A_420 = arith.constant 0 : index
        %swap3A_421 = tpu.vector_load %arg10[%swap3A_419, %swap3A_420] {strides = array<i32>} : memref<200x64xf32, #tpu.memory_space<vmem>>, vector<1x16xf32>,
        %swap3A_422 = vector.shape_cast %swap3A_421 : vector<1x16xf32> to vector<16xf32>
        %swap3A_423 = vector.shape_cast %add3A_418 : vector<16xf32> to vector<1x16xf32>
        tpu.vector_store %arg10[%swap3A_419, %swap3A_420], %swap3A_423 {strides = array<i32>} : memref<200x64xf32, #tpu.memory_space<vmem>>, vector<1x16xf32>,
        %get3A_424 = arith.index_cast %add3A_406 : i32 to index
        %get3A_425 = arith.constant 16 : index
        %get3A_426 = tpu.vector_load %arg10[%get3A_424, %get3A_425] {strides = array<i32>} : memref<200x64xf32, #tpu.memory_space<vmem>>, vector<1x16xf32>,
        %get3A_427 = vector.shape_cast %get3A_426 : vector<1x16xf32> to vector<16xf32>
        %mul3A_428 = arith.constant 8.000000e+00 : f32
        %mul3A_429 = vector.broadcast %mul3A_428 : f32 to vector<16xf32>
        %mul3A_430 = arith.mulf %get3A_427, %mul3A_429 : vector<16xf32>
        %get3A_431 = arith.index_cast %add3A_406 : i32 to index
        %get3A_432 = arith.constant 16 : index
        %get3A_433 = tpu.vector_load %arg7[%get3A_431, %get3A_432] {strides = array<i32>} : memref<200x64xf32, #tpu.memory_space<vmem>>, vector<1x16xf32>,
        %get3A_434 = vector.shape_cast %get3A_433 : vector<1x16xf32> to vector<16xf32>
        %add3A_435 = arith.addf %mul3A_430, %get3A_434 : vector<16xf32>
        %swap3A_436 = arith.index_cast %add3A_406 : i32 to index
        %swap3A_437 = arith.constant 16 : index
        %swap3A_438 = tpu.vector_load %arg10[%swap3A_436, %swap3A_437] {strides = array<i32>} : memref<200x64xf32, #tpu.memory_space<vmem>>, vector<1x16xf32>,
        %swap3A_439 = vector.shape_cast %swap3A_438 : vector<1x16xf32> to vector<16xf32>
        %swap3A_440 = vector.shape_cast %add3A_435 : vector<16xf32> to vector<1x16xf32>
        tpu.vector_store %arg10[%swap3A_436, %swap3A_437], %swap3A_440 {strides = array<i32>} : memref<200x64xf32, #tpu.memory_space<vmem>>, vector<1x16xf32>,
        %get3A_441 = arith.index_cast %add3A_406 : i32 to index
        %get3A_442 = arith.constant 32 : index
        %get3A_443 = tpu.vector_load %arg10[%get3A_441, %get3A_442] {strides = array<i32>} : memref<200x64xf32, #tpu.memory_space<vmem>>, vector<1x16xf32>,
        %get3A_444 = vector.shape_cast %get3A_443 : vector<1x16xf32> to vector<16xf32>
        %mul3A_445 = arith.constant 8.000000e+00 : f32
        %mul3A_446 = vector.broadcast %mul3A_445 : f32 to vector<16xf32>
        %mul3A_447 = arith.mulf %get3A_444, %mul3A_446 : vector<16xf32>
        %get3A_448 = arith.index_cast %add3A_406 : i32 to index
        %get3A_449 = arith.constant 32 : index
        %get3A_450 = tpu.vector_load %arg7[%get3A_448, %get3A_449] {strides = array<i32>} : memref<200x64xf32, #tpu.memory_space<vmem>>, vector<1x16xf32>,
        %get3A_451 = vector.shape_cast %get3A_450 : vector<1x16xf32> to vector<16xf32>
        %add3A_452 = arith.addf %mul3A_447, %get3A_451 : vector<16xf32>
        %swap3A_453 = arith.index_cast %add3A_406 : i32 to index
        %swap3A_454 = arith.constant 32 : index
        %swap3A_455 = tpu.vector_load %arg10[%swap3A_453, %swap3A_454] {strides = array<i32>} : memref<200x64xf32, #tpu.memory_space<vmem>>, vector<1x16xf32>,
        %swap3A_456 = vector.shape_cast %swap3A_455 : vector<1x16xf32> to vector<16xf32>
        %swap3A_457 = vector.shape_cast %add3A_452 : vector<16xf32> to vector<1x16xf32>
        tpu.vector_store %arg10[%swap3A_453, %swap3A_454], %swap3A_457 {strides = array<i32>} : memref<200x64xf32, #tpu.memory_space<vmem>>, vector<1x16xf32>,
        %get3A_458 = arith.index_cast %add3A_406 : i32 to index
        %get3A_459 = arith.constant 48 : index
        %get3A_460 = tpu.vector_load %arg10[%get3A_458, %get3A_459] {strides = array<i32>} : memref<200x64xf32, #tpu.memory_space<vmem>>, vector<1x16xf32>,
        %get3A_461 = vector.shape_cast %get3A_460 : vector<1x16xf32> to vector<16xf32>
        %mul3A_462 = arith.constant 8.000000e+00 : f32
        %mul3A_463 = vector.broadcast %mul3A_462 : f32 to vector<16xf32>
        %mul3A_464 = arith.mulf %get3A_461, %mul3A_463 : vector<16xf32>
        %get3A_465 = arith.index_cast %add3A_406 : i32 to index
        %get3A_466 = arith.constant 48 : index
        %get3A_467 = tpu.vector_load %arg7[%get3A_465, %get3A_466] {strides = array<i32>} : memref<200x64xf32, #tpu.memory_space<vmem>>, vector<1x16xf32>,
        %get3A_468 = vector.shape_cast %get3A_467 : vector<1x16xf32> to vector<16xf32>
        %add3A_469 = arith.addf %mul3A_464, %get3A_468 : vector<16xf32>
        %swap3A_470 = arith.index_cast %add3A_406 : i32 to index
        %swap3A_471 = arith.constant 48 : index
        %swap3A_472 = tpu.vector_load %arg10[%swap3A_470, %swap3A_471] {strides = array<i32>} : memref<200x64xf32, #tpu.memory_space<vmem>>, vector<1x16xf32>,
        %swap3A_473 = vector.shape_cast %swap3A_472 : vector<1x16xf32> to vector<16xf32>
        %swap3A_474 = vector.shape_cast %add3A_469 : vector<16xf32> to vector<1x16xf32>
        tpu.vector_store %arg10[%swap3A_470, %swap3A_471], %swap3A_474 {strides = array<i32>} : memref<200x64xf32, #tpu.memory_space<vmem>>, vector<1x16xf32>,
        %mul3A_475 = arith.constant 4 : i32
        %mul3A_476 = arith.muli %scan3A_260, %mul3A_475 : i32
        %add3A_477 = arith.constant 3 : i32
        %add3A_478 = arith.addi %mul3A_476, %add3A_477 : i32
        %get3A_479 = arith.index_cast %add3A_478 : i32 to index
        %get3A_480 = arith.constant 0 : index
        %get3A_481 = tpu.vector_load %arg10[%get3A_479, %get3A_480] {strides = array<i32>} : memref<200x64xf32, #tpu.memory_space<vmem>>, vector<1x16xf32>,
        %get3A_482 = vector.shape_cast %get3A_481 : vector<1x16xf32> to vector<16xf32>
        %mul3A_483 = arith.constant 8.000000e+00 : f32
        %mul3A_484 = vector.broadcast %mul3A_483 : f32 to vector<16xf32>
        %mul3A_485 = arith.mulf %get3A_482, %mul3A_484 : vector<16xf32>
        %get3A_486 = arith.index_cast %add3A_478 : i32 to index
        %get3A_487 = arith.constant 0 : index
        %get3A_488 = tpu.vector_load %arg7[%get3A_486, %get3A_487] {strides = array<i32>} : memref<200x64xf32, #tpu.memory_space<vmem>>, vector<1x16xf32>,
        %get3A_489 = vector.shape_cast %get3A_488 : vector<1x16xf32> to vector<16xf32>
        %add3A_490 = arith.addf %mul3A_485, %get3A_489 : vector<16xf32>
        %swap3A_491 = arith.index_cast %add3A_478 : i32 to index
        %swap3A_492 = arith.constant 0 : index
        %swap3A_493 = tpu.vector_load %arg10[%swap3A_491, %swap3A_492] {strides = array<i32>} : memref<200x64xf32, #tpu.memory_space<vmem>>, vector<1x16xf32>,
        %swap3A_494 = vector.shape_cast %swap3A_493 : vector<1x16xf32> to vector<16xf32>
        %swap3A_495 = vector.shape_cast %add3A_490 : vector<16xf32> to vector<1x16xf32>
        tpu.vector_store %arg10[%swap3A_491, %swap3A_492], %swap3A_495 {strides = array<i32>} : memref<200x64xf32, #tpu.memory_space<vmem>>, vector<1x16xf32>,
        %get3A_496 = arith.index_cast %add3A_478 : i32 to index
        %get3A_497 = arith.constant 16 : index
        %get3A_498 = tpu.vector_load %arg10[%get3A_496, %get3A_497] {strides = array<i32>} : memref<200x64xf32, #tpu.memory_space<vmem>>, vector<1x16xf32>,
        %get3A_499 = vector.shape_cast %get3A_498 : vector<1x16xf32> to vector<16xf32>
        %mul3A_500 = arith.constant 8.000000e+00 : f32
        %mul3A_501 = vector.broadcast %mul3A_500 : f32 to vector<16xf32>
        %mul3A_502 = arith.mulf %get3A_499, %mul3A_501 : vector<16xf32>
        %get3A_503 = arith.index_cast %add3A_478 : i32 to index
        %get3A_504 = arith.constant 16 : index
        %get3A_505 = tpu.vector_load %arg7[%get3A_503, %get3A_504] {strides = array<i32>} : memref<200x64xf32, #tpu.memory_space<vmem>>, vector<1x16xf32>,
        %get3A_506 = vector.shape_cast %get3A_505 : vector<1x16xf32> to vector<16xf32>
        %add3A_507 = arith.addf %mul3A_502, %get3A_506 : vector<16xf32>
        %swap3A_508 = arith.index_cast %add3A_478 : i32 to index
        %swap3A_509 = arith.constant 16 : index
        %swap3A_510 = tpu.vector_load %arg10[%swap3A_508, %swap3A_509] {strides = array<i32>} : memref<200x64xf32, #tpu.memory_space<vmem>>, vector<1x16xf32>,
        %swap3A_511 = vector.shape_cast %swap3A_510 : vector<1x16xf32> to vector<16xf32>
        %swap3A_512 = vector.shape_cast %add3A_507 : vector<16xf32> to vector<1x16xf32>
        tpu.vector_store %arg10[%swap3A_508, %swap3A_509], %swap3A_512 {strides = array<i32>} : memref<200x64xf32, #tpu.memory_space<vmem>>, vector<1x16xf32>,
        %get3A_513 = arith.index_cast %add3A_478 : i32 to index
        %get3A_514 = arith.constant 32 : index
        %get3A_515 = tpu.vector_load %arg10[%get3A_513, %get3A_514] {strides = array<i32>} : memref<200x64xf32, #tpu.memory_space<vmem>>, vector<1x16xf32>,
        %get3A_516 = vector.shape_cast %get3A_515 : vector<1x16xf32> to vector<16xf32>
        %mul3A_517 = arith.constant 8.000000e+00 : f32
        %mul3A_518 = vector.broadcast %mul3A_517 : f32 to vector<16xf32>
        %mul3A_519 = arith.mulf %get3A_516, %mul3A_518 : vector<16xf32>
        %get3A_520 = arith.index_cast %add3A_478 : i32 to index
        %get3A_521 = arith.constant 32 : index
        %get3A_522 = tpu.vector_load %arg7[%get3A_520, %get3A_521] {strides = array<i32>} : memref<200x64xf32, #tpu.memory_space<vmem>>, vector<1x16xf32>,
        %get3A_523 = vector.shape_cast %get3A_522 : vector<1x16xf32> to vector<16xf32>
        %add3A_524 = arith.addf %mul3A_519, %get3A_523 : vector<16xf32>
        %swap3A_525 = arith.index_cast %add3A_478 : i32 to index
        %swap3A_526 = arith.constant 32 : index
        %swap3A_527 = tpu.vector_load %arg10[%swap3A_525, %swap3A_526] {strides = array<i32>} : memref<200x64xf32, #tpu.memory_space<vmem>>, vector<1x16xf32>,
        %swap3A_528 = vector.shape_cast %swap3A_527 : vector<1x16xf32> to vector<16xf32>
        %swap3A_529 = vector.shape_cast %add3A_524 : vector<16xf32> to vector<1x16xf32>
        tpu.vector_store %arg10[%swap3A_525, %swap3A_526], %swap3A_529 {strides = array<i32>} : memref<200x64xf32, #tpu.memory_space<vmem>>, vector<1x16xf32>,
        %get3A_530 = arith.index_cast %add3A_478 : i32 to index
        %get3A_531 = arith.constant 48 : index
        %get3A_532 = tpu.vector_load %arg10[%get3A_530, %get3A_531] {strides = array<i32>} : memref<200x64xf32, #tpu.memory_space<vmem>>, vector<1x16xf32>,
        %get3A_533 = vector.shape_cast %get3A_532 : vector<1x16xf32> to vector<16xf32>
        %mul3A_534 = arith.constant 8.000000e+00 : f32
        %mul3A_535 = vector.broadcast %mul3A_534 : f32 to vector<16xf32>
        %mul3A_536 = arith.mulf %get3A_533, %mul3A_535 : vector<16xf32>
        %get3A_537 = arith.index_cast %add3A_478 : i32 to index
        %get3A_538 = arith.constant 48 : index
        %get3A_539 = tpu.vector_load %arg7[%get3A_537, %get3A_538] {strides = array<i32>} : memref<200x64xf32, #tpu.memory_space<vmem>>, vector<1x16xf32>,
        %get3A_540 = vector.shape_cast %get3A_539 : vector<1x16xf32> to vector<16xf32>
        %add3A_541 = arith.addf %mul3A_536, %get3A_540 : vector<16xf32>
        %swap3A_542 = arith.index_cast %add3A_478 : i32 to index
        %swap3A_543 = arith.constant 48 : index
        %swap3A_544 = tpu.vector_load %arg10[%swap3A_542, %swap3A_543] {strides = array<i32>} : memref<200x64xf32, #tpu.memory_space<vmem>>, vector<1x16xf32>,
        %swap3A_545 = vector.shape_cast %swap3A_544 : vector<1x16xf32> to vector<16xf32>
        %swap3A_546 = vector.shape_cast %add3A_541 : vector<16xf32> to vector<1x16xf32>
        tpu.vector_store %arg10[%swap3A_542, %swap3A_543], %swap3A_546 {strides = array<i32>} : memref<200x64xf32, #tpu.memory_space<vmem>>, vector<1x16xf32>,
      }
      %scan3A_217 = arith.constant 50 : i32
      %add3A_218 = arith.addi %mul3A_2, %add3A_197 : i32
      %dma_start3A_219 = arith.constant 0 : i32
      %dma_start3A_220 = arith.constant 0 : i32
      %dma_start3A_221 = tpu.memref_slice %arg5[%add3A_218, %dma_start3A_219, %dma_start3A_220] : memref<1024x200x64xf32, #tpu.memory_space<hbm>> -> memref<1x200x64xf32, #tpu.memory_space<hbm>>
      %dma_start3A_222 = tpu.memref_squeeze %dma_start3A_221 : memref<1x200x64xf32, #tpu.memory_space<hbm>> -> memref<200x64xf32, #tpu.memory_space<hbm>>
      %dma_start3A_223 = arith.constant 0 : i32
      %dma_start3A_224 = arith.constant 0 : i32
      %dma_start3A_225 = tpu.memref_slice %arg5[%add3A_218, %dma_start3A_223, %dma_start3A_224] : memref<1024x200x64xf32, #tpu.memory_space<hbm>> -> memref<1x200x64xf32, #tpu.memory_space<hbm>>
      %dma_start3A_226 = tpu.memref_squeeze %dma_start3A_225 : memref<1x200x64xf32, #tpu.memory_space<hbm>> -> memref<200x64xf32, #tpu.memory_space<hbm>>
      tpu.enqueue_dma source(%arg10 : memref<200x64xf32, #tpu.memory_space<vmem>>) target(%dma_start3A_226 : memref<200x64xf32, #tpu.memory_space<hbm>>) target_semaphore(%arg18 : memref<!tpu.dma_semaphore, #tpu.memory_space<semaphore_mem>>)
      %mul3A_227 = arith.constant 4 : i32
      %mul3A_228 = arith.muli %mul3A_227, %scan3A_108 : i32
      %add3A_229 = arith.constant 3 : i32
      %add3A_230 = arith.addi %mul3A_228, %add3A_229 : i32
      %le3A_231 = arith.constant 6 : i32
      %le3A_232 = arith.cmpi sle, %scan3A_108, %le3A_231 : i32
      %convert_element_type3A_233 = arith.extui %le3A_232 : i1 to i32
      %cond3A_234 = arith.constant 0 : i32
      %cond3A_235 = arith.cmpi ne, %convert_element_type3A_233, %cond3A_234 : i32
      scf.if %cond3A_235 {
        %dma_wait3A_260 = arith.constant 0 : i32
        %dma_wait3A_261 = arith.constant 0 : i32
        %dma_wait3A_262 = arith.constant 0 : i32
        %dma_wait3A_263 = tpu.memref_slice %arg5[%dma_wait3A_260, %dma_wait3A_261, %dma_wait3A_262] : memref<1024x200x64xf32, #tpu.memory_space<hbm>> -> memref<1x200x64xf32, #tpu.memory_space<hbm>>
        %dma_wait3A_264 = tpu.memref_squeeze %dma_wait3A_263 : memref<1x200x64xf32, #tpu.memory_space<hbm>> -> memref<200x64xf32, #tpu.memory_space<hbm>>
        %dma_wait3A_265 = arith.constant 0 : i32
        %dma_wait3A_266 = arith.constant 0 : i32
        %dma_wait3A_267 = tpu.memref_slice %arg5[%dma_wait3A_260, %dma_wait3A_265, %dma_wait3A_266] : memref<1024x200x64xf32, #tpu.memory_space<hbm>> -> memref<1x200x64xf32, #tpu.memory_space<hbm>>
        %dma_wait3A_268 = tpu.memref_squeeze %dma_wait3A_267 : memref<1x200x64xf32, #tpu.memory_space<hbm>> -> memref<200x64xf32, #tpu.memory_space<hbm>>
        tpu.wait_dma2 semaphore(%arg18 : memref<!tpu.dma_semaphore, #tpu.memory_space<semaphore_mem>>) src(%arg10 : memref<200x64xf32, #tpu.memory_space<vmem>>) dst(%dma_wait3A_268 : memref<200x64xf32, #tpu.memory_space<hbm>>)
        %add3A_269 = arith.constant 4 : i32
        %add3A_270 = arith.addi %add3A_230, %add3A_269 : i32
        %sub3A_271 = arith.constant 1 : i32
        %sub3A_272 = arith.subi %add3A_270, %sub3A_271 : i32
        %dma_start3A_273 = arith.constant 0 : i32
        %dma_start3A_274 = arith.constant 0 : i32
        %dma_start3A_275 = arith.constant 0 : i32
        %dma_start3A_276 = tpu.memref_slice %arg10[%dma_start3A_274, %dma_start3A_275] : memref<200x64xf32, #tpu.memory_space<vmem>> -> memref<100x64xf32, #tpu.memory_space<vmem>>
        %dma_start3A_277 = arith.constant 0 : i32
        %dma_start3A_278 = tpu.memref_slice %arg6[%sub3A_272, %dma_start3A_273, %dma_start3A_277] : memref<32x2x100xi32, #tpu.memory_space<vmem>> -> memref<1x1x100xi32, #tpu.memory_space<vmem>>
        %dma_start3A_279 = tpu.memref_squeeze %dma_start3A_278 : memref<1x1x100xi32, #tpu.memory_space<vmem>> -> memref<100xi32, #tpu.memory_space<vmem>>
        %dma_start3A_280 = arith.constant 0 : i32
        %dma_start3A_281 = arith.constant 0 : i32
        %dma_start3A_282 = tpu.memref_slice %arg3[%dma_start3A_280, %dma_start3A_281] : memref<200000x64xf32, #tpu.memory_space<hbm>> -> memref<200000x64xf32, #tpu.memory_space<hbm>>
        tpu.enqueue_indirect_dma source(%dma_start3A_282 : memref<200000x64xf32, #tpu.memory_space<hbm>>) target(%dma_start3A_276 : memref<100x64xf32, #tpu.memory_space<vmem>>) offsets(%dma_start3A_279 : memref<100xi32, #tpu.memory_space<vmem>>) semaphore(%arg14 : memref<!tpu.dma_semaphore, #tpu.memory_space<semaphore_mem>>)
        %dma_start3A_283 = arith.constant 1 : i32
        %dma_start3A_284 = arith.constant 100 : i32
        %dma_start3A_285 = arith.constant 0 : i32
        %dma_start3A_286 = tpu.memref_slice %arg10[%dma_start3A_284, %dma_start3A_285] : memref<200x64xf32, #tpu.memory_space<vmem>> -> memref<100x64xf32, #tpu.memory_space<vmem>>
        %dma_start3A_287 = arith.constant 0 : i32
        %dma_start3A_288 = tpu.memref_slice %arg6[%sub3A_272, %dma_start3A_283, %dma_start3A_287] : memref<32x2x100xi32, #tpu.memory_space<vmem>> -> memref<1x1x100xi32, #tpu.memory_space<vmem>>
        %dma_start3A_289 = tpu.memref_squeeze %dma_start3A_288 : memref<1x1x100xi32, #tpu.memory_space<vmem>> -> memref<100xi32, #tpu.memory_space<vmem>>
        %dma_start3A_290 = arith.constant 0 : i32
        %dma_start3A_291 = arith.constant 0 : i32
        %dma_start3A_292 = tpu.memref_slice %arg3[%dma_start3A_290, %dma_start3A_291] : memref<200000x64xf32, #tpu.memory_space<hbm>> -> memref<200000x64xf32, #tpu.memory_space<hbm>>
        tpu.enqueue_indirect_dma source(%dma_start3A_292 : memref<200000x64xf32, #tpu.memory_space<hbm>>) target(%dma_start3A_286 : memref<100x64xf32, #tpu.memory_space<vmem>>) offsets(%dma_start3A_289 : memref<100xi32, #tpu.memory_space<vmem>>) semaphore(%arg14 : memref<!tpu.dma_semaphore, #tpu.memory_space<semaphore_mem>>)
      } else {
      }
      %dma_wait3A_236 = arith.constant 0 : i32
      %dma_wait3A_237 = arith.constant 0 : i32
      %dma_wait3A_238 = arith.constant 0 : i32
      %dma_wait3A_239 = tpu.memref_slice %arg5[%dma_wait3A_236, %dma_wait3A_237, %dma_wait3A_238] : memref<1024x200x64xf32, #tpu.memory_space<hbm>> -> memref<1x200x64xf32, #tpu.memory_space<hbm>>
      %dma_wait3A_240 = tpu.memref_squeeze %dma_wait3A_239 : memref<1x200x64xf32, #tpu.memory_space<hbm>> -> memref<200x64xf32, #tpu.memory_space<hbm>>
      %dma_wait3A_241 = arith.constant 0 : i32
      %dma_wait3A_242 = arith.constant 0 : i32
      %dma_wait3A_243 = tpu.memref_slice %arg5[%dma_wait3A_236, %dma_wait3A_241, %dma_wait3A_242] : memref<1024x200x64xf32, #tpu.memory_space<hbm>> -> memref<1x200x64xf32, #tpu.memory_space<hbm>>
      %dma_wait3A_244 = tpu.memref_squeeze %dma_wait3A_243 : memref<1x200x64xf32, #tpu.memory_space<hbm>> -> memref<200x64xf32, #tpu.memory_space<hbm>>
      tpu.wait_dma2 semaphore(%arg15 : memref<!tpu.dma_semaphore, #tpu.memory_space<semaphore_mem>>) src(%dma_wait3A_244 : memref<200x64xf32, #tpu.memory_space<hbm>>) dst(%arg11 : memref<200x64xf32, #tpu.memory_space<vmem>>)
      %scan3A_245 = arith.constant 0 : i32
      %scan3A_246 = arith.constant 0 : i32
      %scan3A_247 = arith.constant 50 : i32
      %scan3A_248 = arith.addi %scan3A_246, %scan3A_247 : i32
      %scan3A_249 = arith.constant 1 : i32
      scf.for %scan3A_260 = %scan3A_246 to %scan3A_248 step %scan3A_249  : i32 {
        %mul3A_261 = arith.constant 4 : i32
        %mul3A_262 = arith.muli %scan3A_260, %mul3A_261 : i32
        %add3A_263 = arith.constant 0 : i32
        %add3A_264 = arith.addi %mul3A_262, %add3A_263 : i32
        %get3A = arith.index_cast %add3A_264 : i32 to index
        %get3A_265 = arith.constant 0 : index
        %get3A_266 = tpu.vector_load %arg11[%get3A, %get3A_265] {strides = array<i32>} : memref<200x64xf32, #tpu.memory_space<vmem>>, vector<1x16xf32>,
        %get3A_267 = vector.shape_cast %get3A_266 : vector<1x16xf32> to vector<16xf32>
        %mul3A_268 = arith.constant 8.000000e+00 : f32
        %mul3A_269 = vector.broadcast %mul3A_268 : f32 to vector<16xf32>
        %mul3A_270 = arith.mulf %get3A_267, %mul3A_269 : vector<16xf32>
        %get3A_271 = arith.index_cast %add3A_264 : i32 to index
        %get3A_272 = arith.constant 0 : index
        %get3A_273 = tpu.vector_load %arg7[%get3A_271, %get3A_272] {strides = array<i32>} : memref<200x64xf32, #tpu.memory_space<vmem>>, vector<1x16xf32>,
        %get3A_274 = vector.shape_cast %get3A_273 : vector<1x16xf32> to vector<16xf32>
        %add3A_275 = arith.addf %mul3A_270, %get3A_274 : vector<16xf32>
        %swap3A = arith.index_cast %add3A_264 : i32 to index
        %swap3A_276 = arith.constant 0 : index
        %swap3A_277 = tpu.vector_load %arg11[%swap3A, %swap3A_276] {strides = array<i32>} : memref<200x64xf32, #tpu.memory_space<vmem>>, vector<1x16xf32>,
        %swap3A_278 = vector.shape_cast %swap3A_277 : vector<1x16xf32> to vector<16xf32>
        %swap3A_279 = vector.shape_cast %add3A_275 : vector<16xf32> to vector<1x16xf32>
        tpu.vector_store %arg11[%swap3A, %swap3A_276], %swap3A_279 {strides = array<i32>} : memref<200x64xf32, #tpu.memory_space<vmem>>, vector<1x16xf32>,
        %get3A_280 = arith.index_cast %add3A_264 : i32 to index
        %get3A_281 = arith.constant 16 : index
        %get3A_282 = tpu.vector_load %arg11[%get3A_280, %get3A_281] {strides = array<i32>} : memref<200x64xf32, #tpu.memory_space<vmem>>, vector<1x16xf32>,
        %get3A_283 = vector.shape_cast %get3A_282 : vector<1x16xf32> to vector<16xf32>
        %mul3A_284 = arith.constant 8.000000e+00 : f32
        %mul3A_285 = vector.broadcast %mul3A_284 : f32 to vector<16xf32>
        %mul3A_286 = arith.mulf %get3A_283, %mul3A_285 : vector<16xf32>
        %get3A_287 = arith.index_cast %add3A_264 : i32 to index
        %get3A_288 = arith.constant 16 : index
        %get3A_289 = tpu.vector_load %arg7[%get3A_287, %get3A_288] {strides = array<i32>} : memref<200x64xf32, #tpu.memory_space<vmem>>, vector<1x16xf32>,
        %get3A_290 = vector.shape_cast %get3A_289 : vector<1x16xf32> to vector<16xf32>
        %add3A_291 = arith.addf %mul3A_286, %get3A_290 : vector<16xf32>
        %swap3A_292 = arith.index_cast %add3A_264 : i32 to index
        %swap3A_293 = arith.constant 16 : index
        %swap3A_294 = tpu.vector_load %arg11[%swap3A_292, %swap3A_293] {strides = array<i32>} : memref<200x64xf32, #tpu.memory_space<vmem>>, vector<1x16xf32>,
        %swap3A_295 = vector.shape_cast %swap3A_294 : vector<1x16xf32> to vector<16xf32>
        %swap3A_296 = vector.shape_cast %add3A_291 : vector<16xf32> to vector<1x16xf32>
        tpu.vector_store %arg11[%swap3A_292, %swap3A_293], %swap3A_296 {strides = array<i32>} : memref<200x64xf32, #tpu.memory_space<vmem>>, vector<1x16xf32>,
        %get3A_297 = arith.index_cast %add3A_264 : i32 to index
        %get3A_298 = arith.constant 32 : index
        %get3A_299 = tpu.vector_load %arg11[%get3A_297, %get3A_298] {strides = array<i32>} : memref<200x64xf32, #tpu.memory_space<vmem>>, vector<1x16xf32>,
        %get3A_300 = vector.shape_cast %get3A_299 : vector<1x16xf32> to vector<16xf32>
        %mul3A_301 = arith.constant 8.000000e+00 : f32
        %mul3A_302 = vector.broadcast %mul3A_301 : f32 to vector<16xf32>
        %mul3A_303 = arith.mulf %get3A_300, %mul3A_302 : vector<16xf32>
        %get3A_304 = arith.index_cast %add3A_264 : i32 to index
        %get3A_305 = arith.constant 32 : index
        %get3A_306 = tpu.vector_load %arg7[%get3A_304, %get3A_305] {strides = array<i32>} : memref<200x64xf32, #tpu.memory_space<vmem>>, vector<1x16xf32>,
        %get3A_307 = vector.shape_cast %get3A_306 : vector<1x16xf32> to vector<16xf32>
        %add3A_308 = arith.addf %mul3A_303, %get3A_307 : vector<16xf32>
        %swap3A_309 = arith.index_cast %add3A_264 : i32 to index
        %swap3A_310 = arith.constant 32 : index
        %swap3A_311 = tpu.vector_load %arg11[%swap3A_309, %swap3A_310] {strides = array<i32>} : memref<200x64xf32, #tpu.memory_space<vmem>>, vector<1x16xf32>,
        %swap3A_312 = vector.shape_cast %swap3A_311 : vector<1x16xf32> to vector<16xf32>
        %swap3A_313 = vector.shape_cast %add3A_308 : vector<16xf32> to vector<1x16xf32>
        tpu.vector_store %arg11[%swap3A_309, %swap3A_310], %swap3A_313 {strides = array<i32>} : memref<200x64xf32, #tpu.memory_space<vmem>>, vector<1x16xf32>,
        %get3A_314 = arith.index_cast %add3A_264 : i32 to index
        %get3A_315 = arith.constant 48 : index
        %get3A_316 = tpu.vector_load %arg11[%get3A_314, %get3A_315] {strides = array<i32>} : memref<200x64xf32, #tpu.memory_space<vmem>>, vector<1x16xf32>,
        %get3A_317 = vector.shape_cast %get3A_316 : vector<1x16xf32> to vector<16xf32>
        %mul3A_318 = arith.constant 8.000000e+00 : f32
        %mul3A_319 = vector.broadcast %mul3A_318 : f32 to vector<16xf32>
        %mul3A_320 = arith.mulf %get3A_317, %mul3A_319 : vector<16xf32>
        %get3A_321 = arith.index_cast %add3A_264 : i32 to index
        %get3A_322 = arith.constant 48 : index
        %get3A_323 = tpu.vector_load %arg7[%get3A_321, %get3A_322] {strides = array<i32>} : memref<200x64xf32, #tpu.memory_space<vmem>>, vector<1x16xf32>,
        %get3A_324 = vector.shape_cast %get3A_323 : vector<1x16xf32> to vector<16xf32>
        %add3A_325 = arith.addf %mul3A_320, %get3A_324 : vector<16xf32>
        %swap3A_326 = arith.index_cast %add3A_264 : i32 to index
        %swap3A_327 = arith.constant 48 : index
        %swap3A_328 = tpu.vector_load %arg11[%swap3A_326, %swap3A_327] {strides = array<i32>} : memref<200x64xf32, #tpu.memory_space<vmem>>, vector<1x16xf32>,
        %swap3A_329 = vector.shape_cast %swap3A_328 : vector<1x16xf32> to vector<16xf32>
        %swap3A_330 = vector.shape_cast %add3A_325 : vector<16xf32> to vector<1x16xf32>
        tpu.vector_store %arg11[%swap3A_326, %swap3A_327], %swap3A_330 {strides = array<i32>} : memref<200x64xf32, #tpu.memory_space<vmem>>, vector<1x16xf32>,
        %mul3A_331 = arith.constant 4 : i32
        %mul3A_332 = arith.muli %scan3A_260, %mul3A_331 : i32
        %add3A_333 = arith.constant 1 : i32
        %add3A_334 = arith.addi %mul3A_332, %add3A_333 : i32
        %get3A_335 = arith.index_cast %add3A_334 : i32 to index
        %get3A_336 = arith.constant 0 : index
        %get3A_337 = tpu.vector_load %arg11[%get3A_335, %get3A_336] {strides = array<i32>} : memref<200x64xf32, #tpu.memory_space<vmem>>, vector<1x16xf32>,
        %get3A_338 = vector.shape_cast %get3A_337 : vector<1x16xf32> to vector<16xf32>
        %mul3A_339 = arith.constant 8.000000e+00 : f32
        %mul3A_340 = vector.broadcast %mul3A_339 : f32 to vector<16xf32>
        %mul3A_341 = arith.mulf %get3A_338, %mul3A_340 : vector<16xf32>
        %get3A_342 = arith.index_cast %add3A_334 : i32 to index
        %get3A_343 = arith.constant 0 : index
        %get3A_344 = tpu.vector_load %arg7[%get3A_342, %get3A_343] {strides = array<i32>} : memref<200x64xf32, #tpu.memory_space<vmem>>, vector<1x16xf32>,
        %get3A_345 = vector.shape_cast %get3A_344 : vector<1x16xf32> to vector<16xf32>
        %add3A_346 = arith.addf %mul3A_341, %get3A_345 : vector<16xf32>
        %swap3A_347 = arith.index_cast %add3A_334 : i32 to index
        %swap3A_348 = arith.constant 0 : index
        %swap3A_349 = tpu.vector_load %arg11[%swap3A_347, %swap3A_348] {strides = array<i32>} : memref<200x64xf32, #tpu.memory_space<vmem>>, vector<1x16xf32>,
        %swap3A_350 = vector.shape_cast %swap3A_349 : vector<1x16xf32> to vector<16xf32>
        %swap3A_351 = vector.shape_cast %add3A_346 : vector<16xf32> to vector<1x16xf32>
        tpu.vector_store %arg11[%swap3A_347, %swap3A_348], %swap3A_351 {strides = array<i32>} : memref<200x64xf32, #tpu.memory_space<vmem>>, vector<1x16xf32>,
        %get3A_352 = arith.index_cast %add3A_334 : i32 to index
        %get3A_353 = arith.constant 16 : index
        %get3A_354 = tpu.vector_load %arg11[%get3A_352, %get3A_353] {strides = array<i32>} : memref<200x64xf32, #tpu.memory_space<vmem>>, vector<1x16xf32>,
        %get3A_355 = vector.shape_cast %get3A_354 : vector<1x16xf32> to vector<16xf32>
        %mul3A_356 = arith.constant 8.000000e+00 : f32
        %mul3A_357 = vector.broadcast %mul3A_356 : f32 to vector<16xf32>
        %mul3A_358 = arith.mulf %get3A_355, %mul3A_357 : vector<16xf32>
        %get3A_359 = arith.index_cast %add3A_334 : i32 to index
        %get3A_360 = arith.constant 16 : index
        %get3A_361 = tpu.vector_load %arg7[%get3A_359, %get3A_360] {strides = array<i32>} : memref<200x64xf32, #tpu.memory_space<vmem>>, vector<1x16xf32>,
        %get3A_362 = vector.shape_cast %get3A_361 : vector<1x16xf32> to vector<16xf32>
        %add3A_363 = arith.addf %mul3A_358, %get3A_362 : vector<16xf32>
        %swap3A_364 = arith.index_cast %add3A_334 : i32 to index
        %swap3A_365 = arith.constant 16 : index
        %swap3A_366 = tpu.vector_load %arg11[%swap3A_364, %swap3A_365] {strides = array<i32>} : memref<200x64xf32, #tpu.memory_space<vmem>>, vector<1x16xf32>,
        %swap3A_367 = vector.shape_cast %swap3A_366 : vector<1x16xf32> to vector<16xf32>
        %swap3A_368 = vector.shape_cast %add3A_363 : vector<16xf32> to vector<1x16xf32>
        tpu.vector_store %arg11[%swap3A_364, %swap3A_365], %swap3A_368 {strides = array<i32>} : memref<200x64xf32, #tpu.memory_space<vmem>>, vector<1x16xf32>,
        %get3A_369 = arith.index_cast %add3A_334 : i32 to index
        %get3A_370 = arith.constant 32 : index
        %get3A_371 = tpu.vector_load %arg11[%get3A_369, %get3A_370] {strides = array<i32>} : memref<200x64xf32, #tpu.memory_space<vmem>>, vector<1x16xf32>,
        %get3A_372 = vector.shape_cast %get3A_371 : vector<1x16xf32> to vector<16xf32>
        %mul3A_373 = arith.constant 8.000000e+00 : f32
        %mul3A_374 = vector.broadcast %mul3A_373 : f32 to vector<16xf32>
        %mul3A_375 = arith.mulf %get3A_372, %mul3A_374 : vector<16xf32>
        %get3A_376 = arith.index_cast %add3A_334 : i32 to index
        %get3A_377 = arith.constant 32 : index
        %get3A_378 = tpu.vector_load %arg7[%get3A_376, %get3A_377] {strides = array<i32>} : memref<200x64xf32, #tpu.memory_space<vmem>>, vector<1x16xf32>,
        %get3A_379 = vector.shape_cast %get3A_378 : vector<1x16xf32> to vector<16xf32>
        %add3A_380 = arith.addf %mul3A_375, %get3A_379 : vector<16xf32>
        %swap3A_381 = arith.index_cast %add3A_334 : i32 to index
        %swap3A_382 = arith.constant 32 : index
        %swap3A_383 = tpu.vector_load %arg11[%swap3A_381, %swap3A_382] {strides = array<i32>} : memref<200x64xf32, #tpu.memory_space<vmem>>, vector<1x16xf32>,
        %swap3A_384 = vector.shape_cast %swap3A_383 : vector<1x16xf32> to vector<16xf32>
        %swap3A_385 = vector.shape_cast %add3A_380 : vector<16xf32> to vector<1x16xf32>
        tpu.vector_store %arg11[%swap3A_381, %swap3A_382], %swap3A_385 {strides = array<i32>} : memref<200x64xf32, #tpu.memory_space<vmem>>, vector<1x16xf32>,
        %get3A_386 = arith.index_cast %add3A_334 : i32 to index
        %get3A_387 = arith.constant 48 : index
        %get3A_388 = tpu.vector_load %arg11[%get3A_386, %get3A_387] {strides = array<i32>} : memref<200x64xf32, #tpu.memory_space<vmem>>, vector<1x16xf32>,
        %get3A_389 = vector.shape_cast %get3A_388 : vector<1x16xf32> to vector<16xf32>
        %mul3A_390 = arith.constant 8.000000e+00 : f32
        %mul3A_391 = vector.broadcast %mul3A_390 : f32 to vector<16xf32>
        %mul3A_392 = arith.mulf %get3A_389, %mul3A_391 : vector<16xf32>
        %get3A_393 = arith.index_cast %add3A_334 : i32 to index
        %get3A_394 = arith.constant 48 : index
        %get3A_395 = tpu.vector_load %arg7[%get3A_393, %get3A_394] {strides = array<i32>} : memref<200x64xf32, #tpu.memory_space<vmem>>, vector<1x16xf32>,
        %get3A_396 = vector.shape_cast %get3A_395 : vector<1x16xf32> to vector<16xf32>
        %add3A_397 = arith.addf %mul3A_392, %get3A_396 : vector<16xf32>
        %swap3A_398 = arith.index_cast %add3A_334 : i32 to index
        %swap3A_399 = arith.constant 48 : index
        %swap3A_400 = tpu.vector_load %arg11[%swap3A_398, %swap3A_399] {strides = array<i32>} : memref<200x64xf32, #tpu.memory_space<vmem>>, vector<1x16xf32>,
        %swap3A_401 = vector.shape_cast %swap3A_400 : vector<1x16xf32> to vector<16xf32>
        %swap3A_402 = vector.shape_cast %add3A_397 : vector<16xf32> to vector<1x16xf32>
        tpu.vector_store %arg11[%swap3A_398, %swap3A_399], %swap3A_402 {strides = array<i32>} : memref<200x64xf32, #tpu.memory_space<vmem>>, vector<1x16xf32>,
        %mul3A_403 = arith.constant 4 : i32
        %mul3A_404 = arith.muli %scan3A_260, %mul3A_403 : i32
        %add3A_405 = arith.constant 2 : i32
        %add3A_406 = arith.addi %mul3A_404, %add3A_405 : i32
        %get3A_407 = arith.index_cast %add3A_406 : i32 to index
        %get3A_408 = arith.constant 0 : index
        %get3A_409 = tpu.vector_load %arg11[%get3A_407, %get3A_408] {strides = array<i32>} : memref<200x64xf32, #tpu.memory_space<vmem>>, vector<1x16xf32>,
        %get3A_410 = vector.shape_cast %get3A_409 : vector<1x16xf32> to vector<16xf32>
        %mul3A_411 = arith.constant 8.000000e+00 : f32
        %mul3A_412 = vector.broadcast %mul3A_411 : f32 to vector<16xf32>
        %mul3A_413 = arith.mulf %get3A_410, %mul3A_412 : vector<16xf32>
        %get3A_414 = arith.index_cast %add3A_406 : i32 to index
        %get3A_415 = arith.constant 0 : index
        %get3A_416 = tpu.vector_load %arg7[%get3A_414, %get3A_415] {strides = array<i32>} : memref<200x64xf32, #tpu.memory_space<vmem>>, vector<1x16xf32>,
        %get3A_417 = vector.shape_cast %get3A_416 : vector<1x16xf32> to vector<16xf32>
        %add3A_418 = arith.addf %mul3A_413, %get3A_417 : vector<16xf32>
        %swap3A_419 = arith.index_cast %add3A_406 : i32 to index
        %swap3A_420 = arith.constant 0 : index
        %swap3A_421 = tpu.vector_load %arg11[%swap3A_419, %swap3A_420] {strides = array<i32>} : memref<200x64xf32, #tpu.memory_space<vmem>>, vector<1x16xf32>,
        %swap3A_422 = vector.shape_cast %swap3A_421 : vector<1x16xf32> to vector<16xf32>
        %swap3A_423 = vector.shape_cast %add3A_418 : vector<16xf32> to vector<1x16xf32>
        tpu.vector_store %arg11[%swap3A_419, %swap3A_420], %swap3A_423 {strides = array<i32>} : memref<200x64xf32, #tpu.memory_space<vmem>>, vector<1x16xf32>,
        %get3A_424 = arith.index_cast %add3A_406 : i32 to index
        %get3A_425 = arith.constant 16 : index
        %get3A_426 = tpu.vector_load %arg11[%get3A_424, %get3A_425] {strides = array<i32>} : memref<200x64xf32, #tpu.memory_space<vmem>>, vector<1x16xf32>,
        %get3A_427 = vector.shape_cast %get3A_426 : vector<1x16xf32> to vector<16xf32>
        %mul3A_428 = arith.constant 8.000000e+00 : f32
        %mul3A_429 = vector.broadcast %mul3A_428 : f32 to vector<16xf32>
        %mul3A_430 = arith.mulf %get3A_427, %mul3A_429 : vector<16xf32>
        %get3A_431 = arith.index_cast %add3A_406 : i32 to index
        %get3A_432 = arith.constant 16 : index
        %get3A_433 = tpu.vector_load %arg7[%get3A_431, %get3A_432] {strides = array<i32>} : memref<200x64xf32, #tpu.memory_space<vmem>>, vector<1x16xf32>,
        %get3A_434 = vector.shape_cast %get3A_433 : vector<1x16xf32> to vector<16xf32>
        %add3A_435 = arith.addf %mul3A_430, %get3A_434 : vector<16xf32>
        %swap3A_436 = arith.index_cast %add3A_406 : i32 to index
        %swap3A_437 = arith.constant 16 : index
        %swap3A_438 = tpu.vector_load %arg11[%swap3A_436, %swap3A_437] {strides = array<i32>} : memref<200x64xf32, #tpu.memory_space<vmem>>, vector<1x16xf32>,
        %swap3A_439 = vector.shape_cast %swap3A_438 : vector<1x16xf32> to vector<16xf32>
        %swap3A_440 = vector.shape_cast %add3A_435 : vector<16xf32> to vector<1x16xf32>
        tpu.vector_store %arg11[%swap3A_436, %swap3A_437], %swap3A_440 {strides = array<i32>} : memref<200x64xf32, #tpu.memory_space<vmem>>, vector<1x16xf32>,
        %get3A_441 = arith.index_cast %add3A_406 : i32 to index
        %get3A_442 = arith.constant 32 : index
        %get3A_443 = tpu.vector_load %arg11[%get3A_441, %get3A_442] {strides = array<i32>} : memref<200x64xf32, #tpu.memory_space<vmem>>, vector<1x16xf32>,
        %get3A_444 = vector.shape_cast %get3A_443 : vector<1x16xf32> to vector<16xf32>
        %mul3A_445 = arith.constant 8.000000e+00 : f32
        %mul3A_446 = vector.broadcast %mul3A_445 : f32 to vector<16xf32>
        %mul3A_447 = arith.mulf %get3A_444, %mul3A_446 : vector<16xf32>
        %get3A_448 = arith.index_cast %add3A_406 : i32 to index
        %get3A_449 = arith.constant 32 : index
        %get3A_450 = tpu.vector_load %arg7[%get3A_448, %get3A_449] {strides = array<i32>} : memref<200x64xf32, #tpu.memory_space<vmem>>, vector<1x16xf32>,
        %get3A_451 = vector.shape_cast %get3A_450 : vector<1x16xf32> to vector<16xf32>
        %add3A_452 = arith.addf %mul3A_447, %get3A_451 : vector<16xf32>
        %swap3A_453 = arith.index_cast %add3A_406 : i32 to index
        %swap3A_454 = arith.constant 32 : index
        %swap3A_455 = tpu.vector_load %arg11[%swap3A_453, %swap3A_454] {strides = array<i32>} : memref<200x64xf32, #tpu.memory_space<vmem>>, vector<1x16xf32>,
        %swap3A_456 = vector.shape_cast %swap3A_455 : vector<1x16xf32> to vector<16xf32>
        %swap3A_457 = vector.shape_cast %add3A_452 : vector<16xf32> to vector<1x16xf32>
        tpu.vector_store %arg11[%swap3A_453, %swap3A_454], %swap3A_457 {strides = array<i32>} : memref<200x64xf32, #tpu.memory_space<vmem>>, vector<1x16xf32>,
        %get3A_458 = arith.index_cast %add3A_406 : i32 to index
        %get3A_459 = arith.constant 48 : index
        %get3A_460 = tpu.vector_load %arg11[%get3A_458, %get3A_459] {strides = array<i32>} : memref<200x64xf32, #tpu.memory_space<vmem>>, vector<1x16xf32>,
        %get3A_461 = vector.shape_cast %get3A_460 : vector<1x16xf32> to vector<16xf32>
        %mul3A_462 = arith.constant 8.000000e+00 : f32
        %mul3A_463 = vector.broadcast %mul3A_462 : f32 to vector<16xf32>
        %mul3A_464 = arith.mulf %get3A_461, %mul3A_463 : vector<16xf32>
        %get3A_465 = arith.index_cast %add3A_406 : i32 to index
        %get3A_466 = arith.constant 48 : index
        %get3A_467 = tpu.vector_load %arg7[%get3A_465, %get3A_466] {strides = array<i32>} : memref<200x64xf32, #tpu.memory_space<vmem>>, vector<1x16xf32>,
        %get3A_468 = vector.shape_cast %get3A_467 : vector<1x16xf32> to vector<16xf32>
        %add3A_469 = arith.addf %mul3A_464, %get3A_468 : vector<16xf32>
        %swap3A_470 = arith.index_cast %add3A_406 : i32 to index
        %swap3A_471 = arith.constant 48 : index
        %swap3A_472 = tpu.vector_load %arg11[%swap3A_470, %swap3A_471] {strides = array<i32>} : memref<200x64xf32, #tpu.memory_space<vmem>>, vector<1x16xf32>,
        %swap3A_473 = vector.shape_cast %swap3A_472 : vector<1x16xf32> to vector<16xf32>
        %swap3A_474 = vector.shape_cast %add3A_469 : vector<16xf32> to vector<1x16xf32>
        tpu.vector_store %arg11[%swap3A_470, %swap3A_471], %swap3A_474 {strides = array<i32>} : memref<200x64xf32, #tpu.memory_space<vmem>>, vector<1x16xf32>,
        %mul3A_475 = arith.constant 4 : i32
        %mul3A_476 = arith.muli %scan3A_260, %mul3A_475 : i32
        %add3A_477 = arith.constant 3 : i32
        %add3A_478 = arith.addi %mul3A_476, %add3A_477 : i32
        %get3A_479 = arith.index_cast %add3A_478 : i32 to index
        %get3A_480 = arith.constant 0 : index
        %get3A_481 = tpu.vector_load %arg11[%get3A_479, %get3A_480] {strides = array<i32>} : memref<200x64xf32, #tpu.memory_space<vmem>>, vector<1x16xf32>,
        %get3A_482 = vector.shape_cast %get3A_481 : vector<1x16xf32> to vector<16xf32>
        %mul3A_483 = arith.constant 8.000000e+00 : f32
        %mul3A_484 = vector.broadcast %mul3A_483 : f32 to vector<16xf32>
        %mul3A_485 = arith.mulf %get3A_482, %mul3A_484 : vector<16xf32>
        %get3A_486 = arith.index_cast %add3A_478 : i32 to index
        %get3A_487 = arith.constant 0 : index
        %get3A_488 = tpu.vector_load %arg7[%get3A_486, %get3A_487] {strides = array<i32>} : memref<200x64xf32, #tpu.memory_space<vmem>>, vector<1x16xf32>,
        %get3A_489 = vector.shape_cast %get3A_488 : vector<1x16xf32> to vector<16xf32>
        %add3A_490 = arith.addf %mul3A_485, %get3A_489 : vector<16xf32>
        %swap3A_491 = arith.index_cast %add3A_478 : i32 to index
        %swap3A_492 = arith.constant 0 : index
        %swap3A_493 = tpu.vector_load %arg11[%swap3A_491, %swap3A_492] {strides = array<i32>} : memref<200x64xf32, #tpu.memory_space<vmem>>, vector<1x16xf32>,
        %swap3A_494 = vector.shape_cast %swap3A_493 : vector<1x16xf32> to vector<16xf32>
        %swap3A_495 = vector.shape_cast %add3A_490 : vector<16xf32> to vector<1x16xf32>
        tpu.vector_store %arg11[%swap3A_491, %swap3A_492], %swap3A_495 {strides = array<i32>} : memref<200x64xf32, #tpu.memory_space<vmem>>, vector<1x16xf32>,
        %get3A_496 = arith.index_cast %add3A_478 : i32 to index
        %get3A_497 = arith.constant 16 : index
        %get3A_498 = tpu.vector_load %arg11[%get3A_496, %get3A_497] {strides = array<i32>} : memref<200x64xf32, #tpu.memory_space<vmem>>, vector<1x16xf32>,
        %get3A_499 = vector.shape_cast %get3A_498 : vector<1x16xf32> to vector<16xf32>
        %mul3A_500 = arith.constant 8.000000e+00 : f32
        %mul3A_501 = vector.broadcast %mul3A_500 : f32 to vector<16xf32>
        %mul3A_502 = arith.mulf %get3A_499, %mul3A_501 : vector<16xf32>
        %get3A_503 = arith.index_cast %add3A_478 : i32 to index
        %get3A_504 = arith.constant 16 : index
        %get3A_505 = tpu.vector_load %arg7[%get3A_503, %get3A_504] {strides = array<i32>} : memref<200x64xf32, #tpu.memory_space<vmem>>, vector<1x16xf32>,
        %get3A_506 = vector.shape_cast %get3A_505 : vector<1x16xf32> to vector<16xf32>
        %add3A_507 = arith.addf %mul3A_502, %get3A_506 : vector<16xf32>
        %swap3A_508 = arith.index_cast %add3A_478 : i32 to index
        %swap3A_509 = arith.constant 16 : index
        %swap3A_510 = tpu.vector_load %arg11[%swap3A_508, %swap3A_509] {strides = array<i32>} : memref<200x64xf32, #tpu.memory_space<vmem>>, vector<1x16xf32>,
        %swap3A_511 = vector.shape_cast %swap3A_510 : vector<1x16xf32> to vector<16xf32>
        %swap3A_512 = vector.shape_cast %add3A_507 : vector<16xf32> to vector<1x16xf32>
        tpu.vector_store %arg11[%swap3A_508, %swap3A_509], %swap3A_512 {strides = array<i32>} : memref<200x64xf32, #tpu.memory_space<vmem>>, vector<1x16xf32>,
        %get3A_513 = arith.index_cast %add3A_478 : i32 to index
        %get3A_514 = arith.constant 32 : index
        %get3A_515 = tpu.vector_load %arg11[%get3A_513, %get3A_514] {strides = array<i32>} : memref<200x64xf32, #tpu.memory_space<vmem>>, vector<1x16xf32>,
        %get3A_516 = vector.shape_cast %get3A_515 : vector<1x16xf32> to vector<16xf32>
        %mul3A_517 = arith.constant 8.000000e+00 : f32
        %mul3A_518 = vector.broadcast %mul3A_517 : f32 to vector<16xf32>
        %mul3A_519 = arith.mulf %get3A_516, %mul3A_518 : vector<16xf32>
        %get3A_520 = arith.index_cast %add3A_478 : i32 to index
        %get3A_521 = arith.constant 32 : index
        %get3A_522 = tpu.vector_load %arg7[%get3A_520, %get3A_521] {strides = array<i32>} : memref<200x64xf32, #tpu.memory_space<vmem>>, vector<1x16xf32>,
        %get3A_523 = vector.shape_cast %get3A_522 : vector<1x16xf32> to vector<16xf32>
        %add3A_524 = arith.addf %mul3A_519, %get3A_523 : vector<16xf32>
        %swap3A_525 = arith.index_cast %add3A_478 : i32 to index
        %swap3A_526 = arith.constant 32 : index
        %swap3A_527 = tpu.vector_load %arg11[%swap3A_525, %swap3A_526] {strides = array<i32>} : memref<200x64xf32, #tpu.memory_space<vmem>>, vector<1x16xf32>,
        %swap3A_528 = vector.shape_cast %swap3A_527 : vector<1x16xf32> to vector<16xf32>
        %swap3A_529 = vector.shape_cast %add3A_524 : vector<16xf32> to vector<1x16xf32>
        tpu.vector_store %arg11[%swap3A_525, %swap3A_526], %swap3A_529 {strides = array<i32>} : memref<200x64xf32, #tpu.memory_space<vmem>>, vector<1x16xf32>,
        %get3A_530 = arith.index_cast %add3A_478 : i32 to index
        %get3A_531 = arith.constant 48 : index
        %get3A_532 = tpu.vector_load %arg11[%get3A_530, %get3A_531] {strides = array<i32>} : memref<200x64xf32, #tpu.memory_space<vmem>>, vector<1x16xf32>,
        %get3A_533 = vector.shape_cast %get3A_532 : vector<1x16xf32> to vector<16xf32>
        %mul3A_534 = arith.constant 8.000000e+00 : f32
        %mul3A_535 = vector.broadcast %mul3A_534 : f32 to vector<16xf32>
        %mul3A_536 = arith.mulf %get3A_533, %mul3A_535 : vector<16xf32>
        %get3A_537 = arith.index_cast %add3A_478 : i32 to index
        %get3A_538 = arith.constant 48 : index
        %get3A_539 = tpu.vector_load %arg7[%get3A_537, %get3A_538] {strides = array<i32>} : memref<200x64xf32, #tpu.memory_space<vmem>>, vector<1x16xf32>,
        %get3A_540 = vector.shape_cast %get3A_539 : vector<1x16xf32> to vector<16xf32>
        %add3A_541 = arith.addf %mul3A_536, %get3A_540 : vector<16xf32>
        %swap3A_542 = arith.index_cast %add3A_478 : i32 to index
        %swap3A_543 = arith.constant 48 : index
        %swap3A_544 = tpu.vector_load %arg11[%swap3A_542, %swap3A_543] {strides = array<i32>} : memref<200x64xf32, #tpu.memory_space<vmem>>, vector<1x16xf32>,
        %swap3A_545 = vector.shape_cast %swap3A_544 : vector<1x16xf32> to vector<16xf32>
        %swap3A_546 = vector.shape_cast %add3A_541 : vector<16xf32> to vector<1x16xf32>
        tpu.vector_store %arg11[%swap3A_542, %swap3A_543], %swap3A_546 {strides = array<i32>} : memref<200x64xf32, #tpu.memory_space<vmem>>, vector<1x16xf32>,
      }
      %scan3A_250 = arith.constant 50 : i32
      %add3A_251 = arith.addi %mul3A_2, %add3A_230 : i32
      %dma_start3A_252 = arith.constant 0 : i32
      %dma_start3A_253 = arith.constant 0 : i32
      %dma_start3A_254 = tpu.memref_slice %arg5[%add3A_251, %dma_start3A_252, %dma_start3A_253] : memref<1024x200x64xf32, #tpu.memory_space<hbm>> -> memref<1x200x64xf32, #tpu.memory_space<hbm>>
      %dma_start3A_255 = tpu.memref_squeeze %dma_start3A_254 : memref<1x200x64xf32, #tpu.memory_space<hbm>> -> memref<200x64xf32, #tpu.memory_space<hbm>>
      %dma_start3A_256 = arith.constant 0 : i32
      %dma_start3A_257 = arith.constant 0 : i32
      %dma_start3A_258 = tpu.memref_slice %arg5[%add3A_251, %dma_start3A_256, %dma_start3A_257] : memref<1024x200x64xf32, #tpu.memory_space<hbm>> -> memref<1x200x64xf32, #tpu.memory_space<hbm>>
      %dma_start3A_259 = tpu.memref_squeeze %dma_start3A_258 : memref<1x200x64xf32, #tpu.memory_space<hbm>> -> memref<200x64xf32, #tpu.memory_space<hbm>>
      tpu.enqueue_dma source(%arg11 : memref<200x64xf32, #tpu.memory_space<vmem>>) target(%dma_start3A_259 : memref<200x64xf32, #tpu.memory_space<hbm>>) target_semaphore(%arg19 : memref<!tpu.dma_semaphore, #tpu.memory_space<semaphore_mem>>)
    }
    %scan3A_72 = arith.constant 8 : i32
    %dma_wait3A = arith.constant 0 : i32
    %dma_wait3A_73 = arith.constant 0 : i32
    %dma_wait3A_74 = arith.constant 0 : i32
    %dma_wait3A_75 = tpu.memref_slice %arg5[%dma_wait3A, %dma_wait3A_73, %dma_wait3A_74] : memref<1024x200x64xf32, #tpu.memory_space<hbm>> -> memref<1x200x64xf32, #tpu.memory_space<hbm>>
    %dma_wait3A_76 = tpu.memref_squeeze %dma_wait3A_75 : memref<1x200x64xf32, #tpu.memory_space<hbm>> -> memref<200x64xf32, #tpu.memory_space<hbm>>
    %dma_wait3A_77 = arith.constant 0 : i32
    %dma_wait3A_78 = arith.constant 0 : i32
    %dma_wait3A_79 = tpu.memref_slice %arg5[%dma_wait3A, %dma_wait3A_77, %dma_wait3A_78] : memref<1024x200x64xf32, #tpu.memory_space<hbm>> -> memref<1x200x64xf32, #tpu.memory_space<hbm>>
    %dma_wait3A_80 = tpu.memref_squeeze %dma_wait3A_79 : memref<1x200x64xf32, #tpu.memory_space<hbm>> -> memref<200x64xf32, #tpu.memory_space<hbm>>
    tpu.wait_dma2 semaphore(%arg16 : memref<!tpu.dma_semaphore, #tpu.memory_space<semaphore_mem>>) src(%arg8 : memref<200x64xf32, #tpu.memory_space<vmem>>) dst(%dma_wait3A_80 : memref<200x64xf32, #tpu.memory_space<hbm>>)
    %dma_wait3A_81 = arith.constant 0 : i32
    %dma_wait3A_82 = arith.constant 0 : i32
    %dma_wait3A_83 = arith.constant 0 : i32
    %dma_wait3A_84 = tpu.memref_slice %arg5[%dma_wait3A_81, %dma_wait3A_82, %dma_wait3A_83] : memref<1024x200x64xf32, #tpu.memory_space<hbm>> -> memref<1x200x64xf32, #tpu.memory_space<hbm>>
    %dma_wait3A_85 = tpu.memref_squeeze %dma_wait3A_84 : memref<1x200x64xf32, #tpu.memory_space<hbm>> -> memref<200x64xf32, #tpu.memory_space<hbm>>
    %dma_wait3A_86 = arith.constant 0 : i32
    %dma_wait3A_87 = arith.constant 0 : i32
    %dma_wait3A_88 = tpu.memref_slice %arg5[%dma_wait3A_81, %dma_wait3A_86, %dma_wait3A_87] : memref<1024x200x64xf32, #tpu.memory_space<hbm>> -> memref<1x200x64xf32, #tpu.memory_space<hbm>>
    %dma_wait3A_89 = tpu.memref_squeeze %dma_wait3A_88 : memref<1x200x64xf32, #tpu.memory_space<hbm>> -> memref<200x64xf32, #tpu.memory_space<hbm>>
    tpu.wait_dma2 semaphore(%arg17 : memref<!tpu.dma_semaphore, #tpu.memory_space<semaphore_mem>>) src(%arg9 : memref<200x64xf32, #tpu.memory_space<vmem>>) dst(%dma_wait3A_89 : memref<200x64xf32, #tpu.memory_space<hbm>>)
    %dma_wait3A_90 = arith.constant 0 : i32
    %dma_wait3A_91 = arith.constant 0 : i32
    %dma_wait3A_92 = arith.constant 0 : i32
    %dma_wait3A_93 = tpu.memref_slice %arg5[%dma_wait3A_90, %dma_wait3A_91, %dma_wait3A_92] : memref<1024x200x64xf32, #tpu.memory_space<hbm>> -> memref<1x200x64xf32, #tpu.memory_space<hbm>>
    %dma_wait3A_94 = tpu.memref_squeeze %dma_wait3A_93 : memref<1x200x64xf32, #tpu.memory_space<hbm>> -> memref<200x64xf32, #tpu.memory_space<hbm>>
    %dma_wait3A_95 = arith.constant 0 : i32
    %dma_wait3A_96 = arith.constant 0 : i32
    %dma_wait3A_97 = tpu.memref_slice %arg5[%dma_wait3A_90, %dma_wait3A_95, %dma_wait3A_96] : memref<1024x200x64xf32, #tpu.memory_space<hbm>> -> memref<1x200x64xf32, #tpu.memory_space<hbm>>
    %dma_wait3A_98 = tpu.memref_squeeze %dma_wait3A_97 : memref<1x200x64xf32, #tpu.memory_space<hbm>> -> memref<200x64xf32, #tpu.memory_space<hbm>>
    tpu.wait_dma2 semaphore(%arg18 : memref<!tpu.dma_semaphore, #tpu.memory_space<semaphore_mem>>) src(%arg10 : memref<200x64xf32, #tpu.memory_space<vmem>>) dst(%dma_wait3A_98 : memref<200x64xf32, #tpu.memory_space<hbm>>)
    %dma_wait3A_99 = arith.constant 0 : i32
    %dma_wait3A_100 = arith.constant 0 : i32
    %dma_wait3A_101 = arith.constant 0 : i32
    %dma_wait3A_102 = tpu.memref_slice %arg5[%dma_wait3A_99, %dma_wait3A_100, %dma_wait3A_101] : memref<1024x200x64xf32, #tpu.memory_space<hbm>> -> memref<1x200x64xf32, #tpu.memory_space<hbm>>
    %dma_wait3A_103 = tpu.memref_squeeze %dma_wait3A_102 : memref<1x200x64xf32, #tpu.memory_space<hbm>> -> memref<200x64xf32, #tpu.memory_space<hbm>>
    %dma_wait3A_104 = arith.constant 0 : i32
    %dma_wait3A_105 = arith.constant 0 : i32
    %dma_wait3A_106 = tpu.memref_slice %arg5[%dma_wait3A_99, %dma_wait3A_104, %dma_wait3A_105] : memref<1024x200x64xf32, #tpu.memory_space<hbm>> -> memref<1x200x64xf32, #tpu.memory_space<hbm>>
    %dma_wait3A_107 = tpu.memref_squeeze %dma_wait3A_106 : memref<1x200x64xf32, #tpu.memory_space<hbm>> -> memref<200x64xf32, #tpu.memory_space<hbm>>
    tpu.wait_dma2 semaphore(%arg19 : memref<!tpu.dma_semaphore, #tpu.memory_space<semaphore_mem>>) src(%arg11 : memref<200x64xf32, #tpu.memory_space<vmem>>) dst(%dma_wait3A_107 : memref<200x64xf32, #tpu.memory_space<hbm>>)
    return
  }
}

</mosaic_0001>

<sc_bundles>
// kernel: kernel.3.cloned.1.call-start
scs
__scs_entry_jumppad:
0x0: {  	(pc) =	sbr.rel $0x88, $3  }
0x1: {  	(tag) =	ssettag $0x0;
	lr =	simm.s32 $0x1  }
0x2: {  	[smem:$0x3F9E] =	sst lr;
	_ =	strace $0xD0000000  }
0x3: {  	_ = 	snop  }
0x4: {  	_ = 	snop  }
0x5: {  	_ = 	snop  }
0x6: {  	_ = 	snop  }
0x7: {  	_ = 	snop  }
__scs_overlays_trampoline_lowered:
0x8: {  	[smem:$0x3FAD] =	sst s0  }
0x9: {  	[smem:$0x3FAE] =	sst s1  }
0xa: {  	[smem:$0x3FAF] =	sst s2  }
0xb: {  	[smem:$0x3FB0] =	sst s3  }
0xc: {  	[smem:$0x3FB1] =	sst s4  }
0xd: {  	[smem:$0x3FB2] =	sst s5  }
0xe: {  	[smem:$0x3FB3] =	sst s6  }
0xf: {  	[smem:$0x3FB4] =	sst s7  }
0x10: {  	[smem:$0x3FB5] =	sst s8  }
0x11: {  	[smem:$0x3FB6] =	sst s9;
	s0 =	simm.s32 @!p0 $0x0  }
0x12: {  	s1 =	sld [smem:$0x3F9C];
	s0 =	simm.s32 @p0 $0x1  }
0x13: {  	[smem:$0x3FB7] =	sst s0;
	s0 =	simm.s32 @!p1 $0x0  }
0x14: {  	s2 =	sld [smem:$0x3F9B];
	s0 =	simm.s32 @p1 $0x1  }
0x15: {  	[smem:$0x3FB8] =	sst s0;
	s0 =	simm.s32 @!p2 $0x0  }
0x16: {  	s3 =	sld [smem:$0x3FDB];
	s0 =	simm.s32 @p2 $0x1  }
0x17: {  	s4 =	simm.s32 $0x1BF5;
	[smem:$0x3FBA] =	sst s0  }
0x18: {  	s0 =	sld [smem:$0x3F9D];
	_ =	swait.ge [sflag:s4], $0x0  }
0x19: {  	s7 =	sld [smem:$0x3F9E]  }
0x1a: {  	s8 =	sadd.s32 $0xFFFFE003, lr  }
0x1b: {  	s9 =	sadd.s32 $0xFFFFFEF7, lr;
	s5 =	simm.s32 $0xFFFFFFFF;
	p2 =	slt.u32 s8, $0xFFFFF086  }
0x1c: {  	p1 =	slt.u32 s9, $0xF7A;
	s5 =	simm.s32 @!p2 $0x0  }
0x1d: {  	s5 =	simm.s32 @p1 $0x1;
	p0 =	seq.s32 s7, s2  }
0x1e: {  	s7 =	smul.u32 @!p0 $0xF7A, s2;
	p2 =	seq.s32 @!p0 s5, $0x0  }
0x1f: {  	s9 =	smul.u32 $0xF7A, s1;
	s8 =	simm.s32 @!p0 $0x1BF5;
	p2 =	por !p2, p0  }
0x20: {  	[sflag:s8] =	ssyncset.s32 @!p0 $0xFFFFF086;
	s6 =	sadd.s32 @!p0 s3, s7;
	s7 =	simm.s32 @!p0 $0x108  }
0x21: {  	s3 =	sadd.s32 s3, s9;
	s6 =	sadd.s32 @!p0 $0x88, s6;
	s7 =	simm.s32 @p2 $0x1082  }
0x22: {  	[simem:s7], [sflag:s8] =	dma.local @!p0 [hbm:s6], $0xF7A  }
0x23: {  	s9 =	sor.u32 $0xD0000000, s2;
	s6 =	simm.s32 $0x108;
	_ =	swait.ge @!p0 [sflag:s8], $0x0  }
0x24: {  	s3 =	sadd.s32 $0x88, s3;
	s6 =	simm.s32 @!p1 $0x1082;
	[sflag:s4] =	ssyncset.s32 $0xFFFFF086  }
0x25: {  	[simem:s6], [sflag:s4] =	dma.local [hbm:s3], $0xF7A  }
0x26: {  	[smem:$0x3F9E] =	sst s1;
	(tag) =	ssettag s2;
	_ =	strace s9  }
0x27: {  	s1 =	sld [smem:$0x3FAE]  }
0x28: {  	s2 =	sld [smem:$0x3FAF]  }
0x29: {  	s4 =	sld [smem:$0x3FB1]  }
0x2a: {  	p0 =	seq.s32 s5, $0x0;
	s5 =	sld [smem:$0x3FB2]  }
0x2b: {  	s6 =	sld [smem:$0x3FB3]  }
0x2c: {  	s7 =	sld [smem:$0x3FB4]  }
0x2d: {  	s3 =	simm.s32 $0x108;
	s8 =	sld [smem:$0x3FB5]  }
0x2e: {  	s3 =	simm.s32 @!p0 $0x1082;
	s9 =	sld [smem:$0x3FB6]  }
0x2f: {  	lr =	sadd.s32 s0, s3;
	s0 =	sld [smem:$0x3FAD]  }
0x30: {  	s3 =	sld [smem:$0x3FB0]  }
0x31: {  	[smem:$0x3FB9] =	sst s10  }
0x32: {  	s10 =	sld [smem:$0x3FB7];
	_ =	sdelay $0x3  }
0x33: {  	p0 =	seq.s32 s10, $0x1;
	s10 =	sld [smem:$0x3FB9];
	_ =	sdelay $0x3  }
0x34: {  	[smem:$0x3FB9] =	sst s10  }
0x35: {  	s10 =	sld [smem:$0x3FB8];
	_ =	sdelay $0x3  }
0x36: {  	p1 =	seq.s32 s10, $0x1;
	s10 =	sld [smem:$0x3FB9];
	_ =	sdelay $0x3  }
0x37: {  	[smem:$0x3FB9] =	sst s10  }
0x38: {  	s10 =	sld [smem:$0x3FBA]  }
0x39: {  	_ = 	snop;
	(pc) =	sbr.ind lr, $3  }
0x3a: {  	_ = 	snop  }
0x3b: {  	_ = 	snop  }
0x3c: {  	p2 =	seq.s32 s10, $0x1;
	s10 =	sld [smem:$0x3FB9]  }
0x3d: {  	_ =	shalt  }
0x3e: {  	_ =	shalt  }
0x3f: {  	_ =	shalt  }
0x40: {  	_ =	shalt  }
0x41: {  	_ =	shalt  }
0x42: {  	_ =	shalt  }
0x43: {  	_ =	shalt  }
0x44: {  	_ =	shalt  }
0x45: {  	_ =	shalt  }
0x46: {  	_ =	shalt  }
0x47: {  	_ =	shalt  }
0x48: {  	_ =	shalt  }
0x49: {  	_ =	shalt  }
0x4a: {  	_ =	shalt  }
0x4b: {  	_ =	shalt  }
0x4c: {  	_ =	shalt  }
0x4d: {  	_ =	shalt  }
0x4e: {  	_ =	shalt  }
0x4f: {  	_ =	shalt  }
0x50: {  	_ =	shalt  }
0x51: {  	_ =	shalt  }
0x52: {  	_ =	shalt  }
0x53: {  	_ =	shalt  }
0x54: {  	_ =	shalt  }
0x55: {  	_ =	shalt  }
0x56: {  	_ =	shalt  }
0x57: {  	_ =	shalt  }
0x58: {  	_ =	shalt  }
0x59: {  	_ =	shalt  }
0x5a: {  	_ =	shalt  }
0x5b: {  	_ =	shalt  }
0x5c: {  	_ =	shalt  }
0x5d: {  	_ =	shalt  }
0x5e: {  	_ =	shalt  }
0x5f: {  	_ =	shalt  }
0x60: {  	_ =	shalt  }
0x61: {  	_ =	shalt  }
0x62: {  	_ =	shalt  }
0x63: {  	_ =	shalt  }
0x64: {  	_ =	shalt  }
0x65: {  	_ =	shalt  }
0x66: {  	_ =	shalt  }
0x67: {  	_ =	shalt  }
0x68: {  	_ =	shalt  }
0x69: {  	_ =	shalt  }
0x6a: {  	_ =	shalt  }
0x6b: {  	_ =	shalt  }
0x6c: {  	_ =	shalt  }
0x6d: {  	_ =	shalt  }
0x6e: {  	_ =	shalt  }
0x6f: {  	_ =	shalt  }
0x70: {  	_ =	shalt  }
0x71: {  	_ =	shalt  }
0x72: {  	_ =	shalt  }
0x73: {  	_ =	shalt  }
0x74: {  	_ =	shalt  }
0x75: {  	_ =	shalt  }
0x76: {  	_ =	shalt  }
0x77: {  	_ =	shalt  }
0x78: {  	_ =	shalt  }
0x79: {  	_ =	shalt  }
0x7a: {  	_ =	shalt  }
0x7b: {  	_ =	shalt  }
0x7c: {  	_ =	shalt  }
0x7d: {  	_ =	shalt  }
0x7e: {  	_ =	shalt  }
0x7f: {  	_ =	shalt  }
0x80: {  	_ =	shalt  }
0x81: {  	_ =	shalt  }
0x82: {  	_ =	shalt  }
0x83: {  	_ =	shalt  }
0x84: {  	_ =	shalt  }
0x85: {  	_ =	shalt  }
0x86: {  	_ =	shalt  }
0x87: {  	_ =	shalt  }
.Lfunc_end0:
.L_simem_size_0:
called_computation.1_lowered:
.L_overlay_start_0:
0x88: {  	s2 =	sld [smem:$0x3FD9]  }
0x89: {  	s3 =	sld [smem:$0x3FFE];
	_ =	sdelay $0x1  }
0x8a: {  	s1 =	srdreg.scid  }
0x8b: {  	s0 =	sand.u32 $0x1, s1  }
0x8c: {  	s17 =	sshll.u32 s0, $0xA;
	s2 =	sadd.s32 s3, s2  }
0x8d: {  	s2 =	sadd.s32 s2, s17  }
0x8e: {  	[smem:$0x3FC5] =	sst s2  }
0x8f: {  	_ = 	snop  }
0x90: {  	s2 =	sld [smem:$0x3FD0];
	(tm) =	ssettm $0x1  }
0x91: {  	s18 =	sld [smem:$0x3FFB];
	_ =	sdelay $0x3  }
0x92: {  	_ =	strace s18  }
0x93: {  	s3 =	sld [smem:$0x3FFC];
	_ =	sdelay $0x3  }
0x94: {  	_ =	strace s3  }
0x95: {  	s3 =	sld [smem:$0x3FFD];
	_ =	sdelay $0x3  }
0x96: {  	_ =	strace s3  }
0x97: {  	_ =	strace $0x8FFFFFFF  }
0x98: {  	s19 =	sld [smem:$0x3FDB];
	_ =	sdelay $0x1  }
0x99: {  	s4 =	simm.s32 $_scs_section_size  }
0x9a: {  	s5 =	simm.s32 $_size__tile_overlayer_lowered;
	s6 =	simm.s32 $_tile_overlayer_lowered  }
0x9b: {  	s22 =	simm.s32 $0x1BFF;
	s21 =	sshll.u32 s6, $0x1;
	s3 =	sadd.s32 s4, s19  }
0x9c: {  	s7 =	simm.s32 $0x0;
	s20 =	sshll.u32 s5, $0x1;
	s5 =	sadd.s32 s21, s3  }
0x9d: {  	[timem:s7], [sflag:s22] =	dma.local [hbm:s5], s20  }
0x9e: {  	_ =	swait.ge [sflag:s22], s20  }
0x9f: {  	s4 =	ssub.s32 $0x0, s20;
	[sflag:s22] =	ssyncset.done $0x0  }
0xa0: {  	[sflag:s22] =	ssyncadd.s32 s4;
	_ =	sdelay $0x1  }
0xa1: {  	s23 =	simm.s32 $0x1B8B  }
0xa2: {  	_ =	swait.ge [sflag:s23], $0x1  }
0xa3: {  	[sflag:s23] =	ssyncset.done $0x0  }
0xa4: {  	s25 =	simm.s32 $0x1B8E;
	s24 =	sld [smem:$0x3FFE];
	[sflag:s23] =	ssyncadd.s32 $0xFFFFFFFF  }
0xa5: {  	s26 =	simm.s32 $execute0_lowered;
	[smem:$0x3FD2] =	sst s25  }
0xa6: {  	s5 =	sshll.u32 s26, $0x1;
	_ =	strace $0x80000046;
	[dreg:$0x1] =	wrdreg $0xFFFFFFFF  }
0xa7: {  	s28 =	simm.s32 $_size_execute0_lowered;
	s3 =	sadd.s32 s3, s5;
	[dreg:$0x0] =	wrdreg $0x0  }
0xa8: {  	s5 =	sshll.u32 s28, $0x1;
	[dreg:$0x2] =	wrdreg s3  }
0xa9: {  	[dreg:$0x3] =	wrdreg s5  }
0xaa: {  	[dreg:$0x4] =	wrdreg $0xC0  }
0xab: {  	_ =	task [dreg:s7], $0x5FFFF  }
0xac: {  	[dreg:$0x1] =	wrdreg $0xFFFFFFFF  }
0xad: {  	[dreg:$0x0] =	wrdreg $0x60  }
0xae: {  	[dreg:$0x2] =	wrdreg s24  }
0xaf: {  	[dreg:$0x3] =	wrdreg s2  }
0xb0: {  	[dreg:$0x4] =	wrdreg $0x9  }
0xb1: {  	_ =	task.clear_ibuf [dreg:s7], $0x5FFFF;
	_ =	strace $0x90000046  }
0xb2: {  	s29 =	simm.s32 $0x9;
	_ =	strace $0x80000048  }
0xb3: {  	_ =	swait.ge [sflag:s29], $0x1  }
0xb4: {  	[sflag:s29] =	ssyncadd.s32 $0xFFFFFFFF  }
0xb5: {  	_ =	strace $0x90000048  }
0xb6: {  	_ =	sfence  }
0xb7: {  	s30 =	sld [smem:$0x0];
	_ =	sdelay $0x2  }
0xb8: {  	s31 =	sshll.u32 s1, $0xD;
	s1 =	sshrl.u32 s1, $0x2  }
0xb9: {  	s3 =	sand.u32 $0x4000, s31;
	s1 =	sadd.s32 s1, s30  }
0xba: {  	s0 =	sor.u32 s3, s0;
	s1 =	sshll.u32 s1, $0x11  }
0xbb: {  	s0 =	sor.u32 s1, s0  }
0xbc: {  	s0 =	sadd.s32 $0x8F2B, s0  }
0xbd: {  	[sflag:s0] =	ssyncadd.remote.s32 $0x1  }
0xbe: {  	_ =	sfence.sel $0xFFFF  }
0xbf: {  	[dreg:$0x0] =	wrdreg $0xFFFFFFFF;
	(pc) =	sbr.abs _section_cstart, $3  }
0xc0: {  	[dreg:$0x1] =	wrdreg $0xFFFFFFFF  }
0xc1: {  	_ =	task.clear_ibuf [dreg:s7], $0x2FFFF;
	_ =	strace $0x9FFFFFFF  }
0xc2: {  	(tm) =	ssettm $0x7FFFFFFF  }
0xc3: {  	_ =	shalt  }
tec
execute0_lowered:
.L_overlay_start_1:
0x0: {  	(tag) =	ssettag $0x1  }
0x1: {  	s0 =	srdreg.scid  }
0x2: {  	s2 =	stileid.u32;
	s1 =	rddreg [dreg:$0x0]  }
0x3: {  	s10 =	simm.s32 $0x9;
	s11 =	simm.s32 $0x64;
	s12 =	simm.s32 $0x4C00  }
0x4: {  	s16 =	simm.s32 $0x7E00;
	s20 =	simm.s32 $0xB000;
	s23 =	simm.s32 $0xE200  }
0x5: {  	s24 =	simm.s32 $0xFB00;
	s25 =	simm.s32 $0x1;
	s26 =	simm.s32 $0x2  }
0x6: {  	s28 =	simm.s32 $0x3;
	s29 =	simm.s32 $0x4;
	s30 =	simm.s32 $0x5  }
0x7: {  	s31 =	simm.s32 $0x6;
	s9 =	simm.s32 $0x0;
	s0 =	sand.u32 $0x1, s0  }
0x8: {  	s3 =	sshll.u32 s2, $0x6;
	s2 =	rddreg [dreg:$0x1];
	s4 =	sshll.u32 s0, $0x5  }
0x9: {  	s0 =	ssub.s32 $0x2, s0;
	s3 =	sor.u32 s4, s3;
	s4 =	simm.s32 $0x0  }
0xa: {  	s8 =	sshrl.u32 s0, $0x1;
	s5 =	smul.u32 $0x1A, s3;
	[smem:$0x7FF] =	sst s4  }
0xb: {  	s6 =	sadd.s32 $0x800, s1;
	s0 =	ssub.s32 s0, s8;
	_ =	strace $0x80000047  }
0xc: {  	s8 =	smax.u32 s0, $0x1;
	s0 =	simm.s32 $0x8;
	s7 =	sadd.s32 s5, s1  }
0xd: {  	s5 =	sadd.s32 $0x7800, s1;
	s1 =	simm.s32 $0x7;
	s7 =	sadd.s32 $0x1000, s7  }
.LBB2_1:
0xe: {  	s13 =	simm.s32 $0x1A00  }
0xf: {  	[tilespmem:s13], [sflag:$0x9] =	stream.linear.gather [hbm4b:s6+s4], $0x3200, $0x38;
	[tilespmem:$0x11400] =	vst v63  }
0x10: {  	_ =	swait.ge [sflag:s10], $0x3200  }
0x11: {  	[sflag:s10] =	ssyncset.done $0x0  }
0x12: {  	[sflag:s10] =	ssyncadd.s32 $0xFFFFCE00  }
0x13: {  	[tilespmem:s4], [sflag:$0x9] =	stream.linear.gather [hbm4b:s7+s4], $0x1A00, $0x38;
	[tilespmem:$0x11400] =	vst v63  }
0x14: {  	_ =	swait.ge [sflag:s10], $0x1A00  }
0x15: {  	[sflag:s10] =	ssyncset.done $0x0  }
0x16: {  	[sflag:s10] =	ssyncadd.s32 $0xFFFFE600  }
0x17: {  	[tilespmem:s12], [sflag:$0x1] =	stream.indirect.gather [hbm4b:s5+s11], $0x40, s4, s11, $0xb8;
	[tilespmem:$0x11400] =	vst v63  }
0x18: {  	s22 =	simm.s32 $0x68;
	s14 =	simm.s32 $0x6500  }
0x19: {  	[tilespmem:s14], [sflag:$0x1] =	stream.indirect.gather [hbm4b:s5+s11], $0x40, s22, s11, $0xb8;
	[tilespmem:$0x11400] =	vst v63  }
0x1a: {  	s15 =	simm.s32 $0xD0  }
0x1b: {  	[tilespmem:s16], [sflag:$0x2] =	stream.indirect.gather [hbm4b:s5+s11], $0x40, s15, s11, $0xb8;
	[tilespmem:$0x11400] =	vst v63  }
0x1c: {  	s17 =	simm.s32 $0x138;
	s18 =	simm.s32 $0x9700  }
0x1d: {  	[tilespmem:s18], [sflag:$0x2] =	stream.indirect.gather [hbm4b:s5+s11], $0x40, s17, s11, $0xb8;
	[tilespmem:$0x11400] =	vst v63  }
0x1e: {  	s19 =	simm.s32 $0x1A0  }
0x1f: {  	[tilespmem:s20], [sflag:$0x3] =	stream.indirect.gather [hbm4b:s5+s11], $0x40, s19, s11, $0xb8;
	[tilespmem:$0x11400] =	vst v63  }
0x20: {  	s21 =	simm.s32 $0x208;
	s13 =	simm.s32 $0x0;
	s22 =	simm.s32 $0xC900  }
0x21: {  	[tilespmem:s22], [sflag:$0x3] =	stream.indirect.gather [hbm4b:s5+s11], $0x40, s21, s11, $0xb8;
	[tilespmem:$0x11400] =	vst v63  }
.LBB2_2:
0x22: {  	s15 =	sshll.u32 s13, $0x2;
	p0 =	seq.s32 s13, $0x0  }
0x23: {  	s17 =	simm.s32 @!p0 $0x8;
	s14 =	sor.u32 $0x3, s15  }
0x24: {  	_ =	swait.ge @!p0 [sflag:s17], $0x3200;
	s18 =	smul.u32 $0x340, s14  }
0x25: {  	[sflag:s17] =	ssyncset.done @!p0 $0x0  }
0x26: {  	[sflag:s17] =	ssyncadd.s32 @!p0 $0xFFFFCE00;
	s22 =	sshra.s32 s18, $0x2  }
0x27: {  	[tilespmem:s23], [sflag:$0x4] =	stream.indirect.gather [hbm4b:s5+s11], $0x40, s22, s11, $0xb8;
	[tilespmem:$0x11400] =	vst v63  }
0x28: {  	s17 =	sadd.s32 $0x68, s22  }
0x29: {  	[tilespmem:s24], [sflag:$0x4] =	stream.indirect.gather [hbm4b:s5+s11], $0x40, s17, s11, $0xb8;
	[tilespmem:$0x11400] =	vst v63  }
0x2a: {  	_ =	swait.ge [sflag:s25], $0x3200  }
0x2b: {  	[sflag:s25] =	ssyncset.done $0x0  }
0x2c: {  	s17 =	simm.s32 $0x0;
	[sflag:s25] =	ssyncadd.s32 $0xFFFFCE00  }
0x2d: {  	v6 =	vld [tilespmem:s17+$0x1A00]  }
0x2e: {  	v7 =	vld [tilespmem:s17+$0x1A10]  }
0x2f: {  	v8 =	vld [tilespmem:s17+$0x1A20]  }
0x30: {  	v9 =	vld [tilespmem:s17+$0x1A30]  }
0x31: {  	v10 =	vld [tilespmem:s17+$0x1A40]  }
0x32: {  	v11 =	vld [tilespmem:s17+$0x1A50]  }
0x33: {  	v12 =	vld [tilespmem:s17+$0x1A60]  }
0x34: {  	v14 =	vld [tilespmem:s17+$0x1A70]  }
0x35: {  	v5 =	vld [tilespmem:s17+$0x1A80]  }
0x36: {  	v4 =	vld [tilespmem:s17+$0x1A90]  }
0x37: {  	v3 =	vld [tilespmem:s17+$0x1AA0]  }
0x38: {  	v2 =	vld [tilespmem:s17+$0x1AB0]  }
0x39: {  	v1 =	vld [tilespmem:s17+$0x1AC0]  }
0x3a: {  	v15 =	vld [tilespmem:s17+$0x4C10]  }
0x3b: {  	v13 =	vld [tilespmem:s17+$0x4C00]  }
0x3c: {  	v16 =	vld [tilespmem:s17+$0x4C20]  }
0x3d: {  	v0 =	vld [tilespmem:s17+$0x1AD0]  }
0x3e: {  	v18 =	vld [tilespmem:s17+$0x4C40]  }
0x3f: {  	v17 =	vld [tilespmem:s17+$0x4C30];
	v15 =	vmul.f32 $8.000000000e+00, v15  }
0x40: {  	v19 =	vld [tilespmem:s17+$0x4C50];
	v13 =	vmul.f32 $8.000000000e+00, v13  }
0x41: {  	v20 =	vld [tilespmem:s17+$0x4C60];
	v7 =	vadd.f32 v7, v15;
	v15 =	vmul.f32 $8.000000000e+00, v16  }
0x42: {  	v6 =	vadd.f32 v6, v13;
	v13 =	vld [tilespmem:s17+$0x4C70]  }
0x43: {  	v21 =	vld [tilespmem:s17+$0x4C80];
	v8 =	vadd.f32 v8, v15;
	v15 =	vmul.f32 $8.000000000e+00, v18  }
0x44: {  	v62 =	vld [tilespmem:s17+$0x4C90];
	v17 =	vmul.f32 $8.000000000e+00, v17;
	[tilespmem:s17+$0x4C00] =	vst v6  }
0x45: {  	v63 =	vmul.f32 $8.000000000e+00, v19;
	[tilespmem:s17+$0x4C10] =	vst v7;
	v6 =	vld [tilespmem:s17+$0x4CA0];
	v10 =	vadd.f32 v10, v15  }
0x46: {  	v9 =	vadd.f32 v9, v17;
	v7 =	vld [tilespmem:s17+$0x4CB0];
	[tilespmem:s17+$0x4C20] =	vst v8;
	v15 =	vmul.f32 $8.000000000e+00, v20  }
0x47: {  	v11 =	vadd.f32 v11, v63;
	v8 =	vld [tilespmem:s17+$0x4CC0];
	[tilespmem:s17+$0x4C40] =	vst v10;
	v10 =	vmul.f32 $8.000000000e+00, v13  }
0x48: {  	[tilespmem:s17+$0x4C30] =	vst v9;
	v9 =	vld [tilespmem:s17+$0x4CD0];
	v12 =	vadd.f32 v12, v15;
	v13 =	vmul.f32 $8.000000000e+00, v21  }
0x49: {  	s18 =	simm.s32 $0x400;
	[tilespmem:s17+$0x4C50] =	vst v11;
	v11 =	vmul.f32 $8.000000000e+00, v62;
	v14 =	vadd.f32 v14, v10;
	v10 =	vld [tilespmem:s17+$0x4CE0]  }
.LBB2_3:
0x4a: {  	p0 =	sne.s32 s18, $0xC400;
	[tilespmem:s17+$0x4C60] =	vst v12;
	v5 =	vadd.f32 v5, v13;
	v6 =	vmul.f32 $8.000000000e+00, v6;
	v12 =	vld [tilespmem:s17+$0x4CF0]  }
0x4b: {  	[tilespmem:s17+$0x4C70] =	vst v14;
	v4 =	vadd.f32 v4, v11;
	v7 =	vmul.f32 $8.000000000e+00, v7;
	v11 =	vld [tilespmem:s17+$0x1AE0]  }
0x4c: {  	s19 =	sshra.s32 s18, $0x2;
	[tilespmem:s17+$0x4C80] =	vst v5;
	v3 =	vadd.f32 v3, v6;
	v5 =	vmul.f32 $8.000000000e+00, v8;
	v6 =	vld [tilespmem:s17+$0x1AF0]  }
0x4d: {  	v8 =	vld [tilespmem:s19+$0x1A00];
	[tilespmem:s17+$0x4C90] =	vst v4;
	v2 =	vadd.f32 v2, v7;
	v4 =	vmul.f32 $8.000000000e+00, v9  }
0x4e: {  	v7 =	vld [tilespmem:s19+$0x1A10];
	[tilespmem:s17+$0x4CA0] =	vst v3;
	v1 =	vadd.f32 v1, v5;
	v3 =	vmul.f32 $8.000000000e+00, v10  }
0x4f: {  	v9 =	vld [tilespmem:s19+$0x1A20];
	[tilespmem:s17+$0x4CB0] =	vst v2;
	v0 =	vadd.f32 v0, v4;
	v2 =	vmul.f32 $8.000000000e+00, v12  }
0x50: {  	v10 =	vld [tilespmem:s19+$0x1A30];
	[tilespmem:s17+$0x4CC0] =	vst v1;
	v1 =	vadd.f32 v11, v3  }
0x51: {  	v11 =	vld [tilespmem:s19+$0x1A40];
	[tilespmem:s17+$0x4CD0] =	vst v0;
	v0 =	vadd.f32 v6, v2  }
0x52: {  	v12 =	vld [tilespmem:s19+$0x1A50];
	[tilespmem:s17+$0x4CE0] =	vst v1  }
0x53: {  	v13 =	vld [tilespmem:s19+$0x1A60];
	[tilespmem:s17+$0x4CF0] =	vst v0;
	s17 =	smov.u32 s19  }
0x54: {  	v14 =	vld [tilespmem:s17+$0x1A70]  }
0x55: {  	v5 =	vld [tilespmem:s17+$0x1A80]  }
0x56: {  	v4 =	vld [tilespmem:s17+$0x1A90]  }
0x57: {  	v3 =	vld [tilespmem:s17+$0x1AA0]  }
0x58: {  	v2 =	vld [tilespmem:s17+$0x1AB0]  }
0x59: {  	v1 =	vld [tilespmem:s17+$0x1AC0]  }
0x5a: {  	v0 =	vld [tilespmem:s17+$0x1AD0]  }
0x5b: {  	v6 =	vld [tilespmem:s17+$0x4C00]  }
0x5c: {  	v15 =	vld [tilespmem:s17+$0x4C10]  }
0x5d: {  	v16 =	vld [tilespmem:s17+$0x4C20]  }
0x5e: {  	v17 =	vld [tilespmem:s17+$0x4C30]  }
0x5f: {  	v18 =	vld [tilespmem:s17+$0x4C40]  }
0x60: {  	v6 =	vmul.f32 $8.000000000e+00, v6;
	v19 =	vld [tilespmem:s17+$0x4C50]  }
0x61: {  	v15 =	vmul.f32 $8.000000000e+00, v15;
	v20 =	vld [tilespmem:s17+$0x4C60]  }
0x62: {  	v6 =	vadd.f32 v8, v6;
	v8 =	vmul.f32 $8.000000000e+00, v16;
	v16 =	vld [tilespmem:s17+$0x4C70]  }
0x63: {  	v7 =	vadd.f32 v7, v15;
	v15 =	vmul.f32 $8.000000000e+00, v17;
	v17 =	vld [tilespmem:s17+$0x4C80]  }
0x64: {  	[tilespmem:s17+$0x4C00] =	vst v6;
	v8 =	vadd.f32 v9, v8;
	v9 =	vmul.f32 $8.000000000e+00, v18;
	v18 =	vld [tilespmem:s17+$0x4C90]  }
.Ltmp0:
0x65: {  	[tilespmem:s17+$0x4C10] =	vst v7;
	v10 =	vadd.f32 v10, v15;
	v15 =	vmul.f32 $8.000000000e+00, v19;
	v6 =	vld [tilespmem:s17+$0x4CA0];
	(pc) =	sbr.rel @p0 .LBB2_3-.Ltmp0, $4  }
0x66: {  	[tilespmem:s17+$0x4C20] =	vst v8;
	v9 =	vadd.f32 v11, v9;
	v11 =	vmul.f32 $8.000000000e+00, v20;
	v7 =	vld [tilespmem:s17+$0x4CB0]  }
0x67: {  	[tilespmem:s17+$0x4C30] =	vst v10;
	v10 =	vadd.f32 v12, v15;
	v15 =	vmul.f32 $8.000000000e+00, v16;
	v8 =	vld [tilespmem:s17+$0x4CC0]  }
0x68: {  	[tilespmem:s17+$0x4C40] =	vst v9;
	v12 =	vadd.f32 v13, v11;
	v13 =	vmul.f32 $8.000000000e+00, v17;
	v9 =	vld [tilespmem:s17+$0x4CD0]  }
0x69: {  	s18 =	sadd.s32 $0x400, s18;
	[tilespmem:s17+$0x4C50] =	vst v10;
	v14 =	vadd.f32 v14, v15;
	v11 =	vmul.f32 $8.000000000e+00, v18;
	v10 =	vld [tilespmem:s17+$0x4CE0]  }
0x6a: {  	[tilespmem:s17+$0x4C60] =	vst v12;
	v12 =	vld [tilespmem:s17+$0x4CF0];
	v5 =	vadd.f32 v5, v13;
	v6 =	vmul.f32 $8.000000000e+00, v6  }
0x6b: {  	v13 =	vld [tilespmem:s17+$0x1AE0];
	[tilespmem:s17+$0x4C70] =	vst v14;
	v4 =	vadd.f32 v4, v11;
	v7 =	vmul.f32 $8.000000000e+00, v7  }
0x6c: {  	[tilespmem:s17+$0x4C80] =	vst v5;
	v3 =	vadd.f32 v3, v6;
	v5 =	vmul.f32 $8.000000000e+00, v8;
	v6 =	vld [tilespmem:s17+$0x1AF0]  }
0x6d: {  	[tilespmem:s17+$0x4C90] =	vst v4;
	v2 =	vadd.f32 v2, v7;
	v4 =	vmul.f32 $8.000000000e+00, v9  }
0x6e: {  	[tilespmem:s17+$0x4CA0] =	vst v3;
	v1 =	vadd.f32 v1, v5;
	v3 =	vmul.f32 $8.000000000e+00, v10  }
0x6f: {  	[tilespmem:s17+$0x4CB0] =	vst v2;
	v0 =	vadd.f32 v0, v4;
	v2 =	vmul.f32 $8.000000000e+00, v12  }
0x70: {  	s18 =	sadd.s32 s3, s15;
	[tilespmem:s17+$0x4CC0] =	vst v1;
	v1 =	vadd.f32 v13, v3  }
0x71: {  	s18 =	smul.u32 $0x640, s18;
	[tilespmem:s17+$0x4CD0] =	vst v0;
	v0 =	vadd.f32 v6, v2  }
0x72: {  	p0 =	seq.s32 s13, $0x7;
	[tilespmem:s17+$0x4CE0] =	vst v1  }
0x73: {  	s22 =	sadd.s32 s2, s18;
	[tilespmem:s17+$0x4CF0] =	vst v0;
	s17 =	simm.s32 @!p0 $0x5  }
0x74: {  	[hbm4b:s22+s4] =	stream.linear.scatter [tilespmem:s12], [sflag:$0x5], $0x3200, $0x38;
	[tilespmem:$0x11400] =	vst v63  }
0x75: {  	s18 =	smul.u32 @!p0 $0xD00, s13;
	_ =	swait.ge @!p0 [sflag:s17], $0x3200  }
0x76: {  	[sflag:s17] =	ssyncset.done @!p0 $0x0  }
0x77: {  	[sflag:s17] =	ssyncadd.s32 @!p0 $0xFFFFCE00;
	s17 =	sshra.s32 @!p0 s18, $0x2  }
0x78: {  	s19 =	simm.s32 @!p0 $0x64;
	s21 =	simm.s32 @!p0 $0x4C00;
	s18 =	sadd.s32 @!p0 $0x340, s17  }
0x79: {  	[tilespmem:s21], [sflag:$0x1] =	stream.indirect.gather @!p0 [hbm4b:s5+s19], $0x40, s18, s19, $0xb8;
	[tilespmem:$0x11400] =	vst v63  }
0x7a: {  	s18 =	sadd.s32 @!p0 $0x3A8, s17;
	s21 =	simm.s32 @!p0 $0x6500  }
0x7b: {  	[tilespmem:s21], [sflag:$0x1] =	stream.indirect.gather @!p0 [hbm4b:s5+s19], $0x40, s18, s19, $0xb8;
	[tilespmem:$0x11400] =	vst v63  }
0x7c: {  	_ =	swait.ge [sflag:s26], $0x3200  }
0x7d: {  	[sflag:s26] =	ssyncset.done $0x0  }
0x7e: {  	s18 =	simm.s32 $0x0;
	[sflag:s26] =	ssyncadd.s32 $0xFFFFCE00  }
0x7f: {  	v6 =	vld [tilespmem:s18+$0x1A00]  }
0x80: {  	v7 =	vld [tilespmem:s18+$0x1A10]  }
0x81: {  	v8 =	vld [tilespmem:s18+$0x1A20]  }
0x82: {  	v9 =	vld [tilespmem:s18+$0x1A30]  }
0x83: {  	v10 =	vld [tilespmem:s18+$0x1A40]  }
0x84: {  	v11 =	vld [tilespmem:s18+$0x1A50]  }
0x85: {  	v12 =	vld [tilespmem:s18+$0x1A60]  }
0x86: {  	v14 =	vld [tilespmem:s18+$0x1A70]  }
0x87: {  	v5 =	vld [tilespmem:s18+$0x1A80]  }
0x88: {  	v4 =	vld [tilespmem:s18+$0x1A90]  }
0x89: {  	v3 =	vld [tilespmem:s18+$0x1AA0]  }
0x8a: {  	v2 =	vld [tilespmem:s18+$0x1AB0]  }
0x8b: {  	v1 =	vld [tilespmem:s18+$0x1AC0]  }
0x8c: {  	v15 =	vld [tilespmem:s18+$0x7E10]  }
0x8d: {  	v13 =	vld [tilespmem:s18+$0x7E00]  }
0x8e: {  	v16 =	vld [tilespmem:s18+$0x7E20]  }
0x8f: {  	v0 =	vld [tilespmem:s18+$0x1AD0]  }
0x90: {  	v18 =	vld [tilespmem:s18+$0x7E40]  }
0x91: {  	v17 =	vld [tilespmem:s18+$0x7E30];
	v15 =	vmul.f32 $8.000000000e+00, v15  }
0x92: {  	v19 =	vld [tilespmem:s18+$0x7E50];
	v13 =	vmul.f32 $8.000000000e+00, v13  }
0x93: {  	v20 =	vld [tilespmem:s18+$0x7E60];
	v7 =	vadd.f32 v7, v15;
	v15 =	vmul.f32 $8.000000000e+00, v16  }
0x94: {  	v6 =	vadd.f32 v6, v13;
	v13 =	vld [tilespmem:s18+$0x7E70]  }
0x95: {  	v21 =	vld [tilespmem:s18+$0x7E80];
	v8 =	vadd.f32 v8, v15;
	v15 =	vmul.f32 $8.000000000e+00, v18  }
0x96: {  	v62 =	vld [tilespmem:s18+$0x7E90];
	v17 =	vmul.f32 $8.000000000e+00, v17;
	[tilespmem:s18+$0x7E00] =	vst v6  }
0x97: {  	v63 =	vmul.f32 $8.000000000e+00, v19;
	[tilespmem:s18+$0x7E10] =	vst v7;
	v6 =	vld [tilespmem:s18+$0x7EA0];
	v10 =	vadd.f32 v10, v15  }
0x98: {  	v9 =	vadd.f32 v9, v17;
	v7 =	vld [tilespmem:s18+$0x7EB0];
	[tilespmem:s18+$0x7E20] =	vst v8;
	v15 =	vmul.f32 $8.000000000e+00, v20  }
0x99: {  	v11 =	vadd.f32 v11, v63;
	v8 =	vld [tilespmem:s18+$0x7EC0];
	[tilespmem:s18+$0x7E40] =	vst v10;
	v10 =	vmul.f32 $8.000000000e+00, v13  }
0x9a: {  	[tilespmem:s18+$0x7E30] =	vst v9;
	v9 =	vld [tilespmem:s18+$0x7ED0];
	v12 =	vadd.f32 v12, v15;
	v13 =	vmul.f32 $8.000000000e+00, v21  }
0x9b: {  	s19 =	sor.u32 $0x1, s15;
	s21 =	simm.s32 $0x400;
	[tilespmem:s18+$0x7E50] =	vst v11;
	v11 =	vmul.f32 $8.000000000e+00, v62;
	v14 =	vadd.f32 v14, v10;
	v10 =	vld [tilespmem:s18+$0x7EE0]  }
.LBB2_5:
0x9c: {  	p1 =	sne.s32 s21, $0xC400;
	[tilespmem:s18+$0x7E60] =	vst v12;
	v5 =	vadd.f32 v5, v13;
	v6 =	vmul.f32 $8.000000000e+00, v6;
	v12 =	vld [tilespmem:s18+$0x7EF0]  }
0x9d: {  	[tilespmem:s18+$0x7E70] =	vst v14;
	v4 =	vadd.f32 v4, v11;
	v7 =	vmul.f32 $8.000000000e+00, v7;
	v11 =	vld [tilespmem:s18+$0x1AE0]  }
0x9e: {  	s22 =	sshra.s32 s21, $0x2;
	[tilespmem:s18+$0x7E80] =	vst v5;
	v3 =	vadd.f32 v3, v6;
	v5 =	vmul.f32 $8.000000000e+00, v8;
	v6 =	vld [tilespmem:s18+$0x1AF0]  }
0x9f: {  	v8 =	vld [tilespmem:s22+$0x1A00];
	[tilespmem:s18+$0x7E90] =	vst v4;
	v2 =	vadd.f32 v2, v7;
	v4 =	vmul.f32 $8.000000000e+00, v9  }
0xa0: {  	v7 =	vld [tilespmem:s22+$0x1A10];
	[tilespmem:s18+$0x7EA0] =	vst v3;
	v1 =	vadd.f32 v1, v5;
	v3 =	vmul.f32 $8.000000000e+00, v10  }
0xa1: {  	v9 =	vld [tilespmem:s22+$0x1A20];
	[tilespmem:s18+$0x7EB0] =	vst v2;
	v0 =	vadd.f32 v0, v4;
	v2 =	vmul.f32 $8.000000000e+00, v12  }
0xa2: {  	v10 =	vld [tilespmem:s22+$0x1A30];
	[tilespmem:s18+$0x7EC0] =	vst v1;
	v1 =	vadd.f32 v11, v3  }
0xa3: {  	v11 =	vld [tilespmem:s22+$0x1A40];
	[tilespmem:s18+$0x7ED0] =	vst v0;
	v0 =	vadd.f32 v6, v2  }
0xa4: {  	v12 =	vld [tilespmem:s22+$0x1A50];
	[tilespmem:s18+$0x7EE0] =	vst v1  }
0xa5: {  	v13 =	vld [tilespmem:s22+$0x1A60];
	[tilespmem:s18+$0x7EF0] =	vst v0;
	s18 =	smov.u32 s22  }
0xa6: {  	v14 =	vld [tilespmem:s18+$0x1A70]  }
0xa7: {  	v5 =	vld [tilespmem:s18+$0x1A80]  }
0xa8: {  	v4 =	vld [tilespmem:s18+$0x1A90]  }
0xa9: {  	v3 =	vld [tilespmem:s18+$0x1AA0]  }
0xaa: {  	v2 =	vld [tilespmem:s18+$0x1AB0]  }
0xab: {  	v1 =	vld [tilespmem:s18+$0x1AC0]  }
0xac: {  	v0 =	vld [tilespmem:s18+$0x1AD0]  }
0xad: {  	v6 =	vld [tilespmem:s18+$0x7E00]  }
0xae: {  	v15 =	vld [tilespmem:s18+$0x7E10]  }
0xaf: {  	v16 =	vld [tilespmem:s18+$0x7E20]  }
0xb0: {  	v17 =	vld [tilespmem:s18+$0x7E30]  }
0xb1: {  	v18 =	vld [tilespmem:s18+$0x7E40]  }
0xb2: {  	v6 =	vmul.f32 $8.000000000e+00, v6;
	v19 =	vld [tilespmem:s18+$0x7E50]  }
0xb3: {  	v15 =	vmul.f32 $8.000000000e+00, v15;
	v20 =	vld [tilespmem:s18+$0x7E60]  }
0xb4: {  	v6 =	vadd.f32 v8, v6;
	v8 =	vmul.f32 $8.000000000e+00, v16;
	v16 =	vld [tilespmem:s18+$0x7E70]  }
0xb5: {  	v7 =	vadd.f32 v7, v15;
	v15 =	vmul.f32 $8.000000000e+00, v17;
	v17 =	vld [tilespmem:s18+$0x7E80]  }
0xb6: {  	[tilespmem:s18+$0x7E00] =	vst v6;
	v8 =	vadd.f32 v9, v8;
	v9 =	vmul.f32 $8.000000000e+00, v18;
	v18 =	vld [tilespmem:s18+$0x7E90]  }
.Ltmp1:
0xb7: {  	[tilespmem:s18+$0x7E10] =	vst v7;
	v10 =	vadd.f32 v10, v15;
	v15 =	vmul.f32 $8.000000000e+00, v19;
	v6 =	vld [tilespmem:s18+$0x7EA0];
	(pc) =	sbr.rel @p1 .LBB2_5-.Ltmp1, $4  }
0xb8: {  	[tilespmem:s18+$0x7E20] =	vst v8;
	v9 =	vadd.f32 v11, v9;
	v11 =	vmul.f32 $8.000000000e+00, v20;
	v7 =	vld [tilespmem:s18+$0x7EB0]  }
0xb9: {  	[tilespmem:s18+$0x7E30] =	vst v10;
	v10 =	vadd.f32 v12, v15;
	v15 =	vmul.f32 $8.000000000e+00, v16;
	v8 =	vld [tilespmem:s18+$0x7EC0]  }
0xba: {  	[tilespmem:s18+$0x7E40] =	vst v9;
	v12 =	vadd.f32 v13, v11;
	v13 =	vmul.f32 $8.000000000e+00, v17;
	v9 =	vld [tilespmem:s18+$0x7ED0]  }
0xbb: {  	s21 =	sadd.s32 $0x400, s21;
	[tilespmem:s18+$0x7E50] =	vst v10;
	v14 =	vadd.f32 v14, v15;
	v11 =	vmul.f32 $8.000000000e+00, v18;
	v10 =	vld [tilespmem:s18+$0x7EE0]  }
0xbc: {  	[tilespmem:s18+$0x7E60] =	vst v12;
	v12 =	vld [tilespmem:s18+$0x7EF0];
	v5 =	vadd.f32 v5, v13;
	v6 =	vmul.f32 $8.000000000e+00, v6  }
0xbd: {  	v13 =	vld [tilespmem:s18+$0x1AE0];
	[tilespmem:s18+$0x7E70] =	vst v14;
	v4 =	vadd.f32 v4, v11;
	v7 =	vmul.f32 $8.000000000e+00, v7  }
0xbe: {  	[tilespmem:s18+$0x7E80] =	vst v5;
	v3 =	vadd.f32 v3, v6;
	v5 =	vmul.f32 $8.000000000e+00, v8;
	v6 =	vld [tilespmem:s18+$0x1AF0]  }
0xbf: {  	[tilespmem:s18+$0x7E90] =	vst v4;
	v2 =	vadd.f32 v2, v7;
	v4 =	vmul.f32 $8.000000000e+00, v9  }
0xc0: {  	[tilespmem:s18+$0x7EA0] =	vst v3;
	v1 =	vadd.f32 v1, v5;
	v3 =	vmul.f32 $8.000000000e+00, v10  }
0xc1: {  	[tilespmem:s18+$0x7EB0] =	vst v2;
	v0 =	vadd.f32 v0, v4;
	v2 =	vmul.f32 $8.000000000e+00, v12  }
0xc2: {  	s19 =	sadd.s32 s3, s19;
	[tilespmem:s18+$0x7EC0] =	vst v1;
	v1 =	vadd.f32 v13, v3  }
0xc3: {  	s19 =	smul.u32 $0x640, s19;
	[tilespmem:s18+$0x7ED0] =	vst v0;
	v0 =	vadd.f32 v6, v2  }
0xc4: {  	[tilespmem:s18+$0x7EE0] =	vst v1  }
0xc5: {  	s22 =	sadd.s32 s2, s19;
	[tilespmem:s18+$0x7EF0] =	vst v0;
	s18 =	simm.s32 @!p0 $0x6  }
0xc6: {  	[hbm4b:s22+s4] =	stream.linear.scatter [tilespmem:s16], [sflag:$0x6], $0x3200, $0x38;
	[tilespmem:$0x11400] =	vst v63  }
0xc7: {  	_ =	swait.ge @!p0 [sflag:s18], $0x3200  }
0xc8: {  	s21 =	simm.s32 @!p0 $0x7E00;
	[sflag:s18] =	ssyncset.done @!p0 $0x0  }
0xc9: {  	s19 =	simm.s32 @!p0 $0x64;
	[sflag:s18] =	ssyncadd.s32 @!p0 $0xFFFFCE00;
	s18 =	sadd.s32 @!p0 $0x410, s17  }
0xca: {  	[tilespmem:s21], [sflag:$0x2] =	stream.indirect.gather @!p0 [hbm4b:s5+s19], $0x40, s18, s19, $0xb8;
	[tilespmem:$0x11400] =	vst v63  }
0xcb: {  	s18 =	sadd.s32 @!p0 $0x478, s17;
	s21 =	simm.s32 @!p0 $0x9700  }
0xcc: {  	[tilespmem:s21], [sflag:$0x2] =	stream.indirect.gather @!p0 [hbm4b:s5+s19], $0x40, s18, s19, $0xb8;
	[tilespmem:$0x11400] =	vst v63  }
0xcd: {  	_ =	swait.ge [sflag:s28], $0x3200  }
0xce: {  	[sflag:s28] =	ssyncset.done $0x0  }
0xcf: {  	s18 =	simm.s32 $0x0;
	[sflag:s28] =	ssyncadd.s32 $0xFFFFCE00  }
0xd0: {  	v6 =	vld [tilespmem:s18+$0x1A00]  }
0xd1: {  	v7 =	vld [tilespmem:s18+$0x1A10]  }
0xd2: {  	v8 =	vld [tilespmem:s18+$0x1A20]  }
0xd3: {  	v9 =	vld [tilespmem:s18+$0x1A30]  }
0xd4: {  	v10 =	vld [tilespmem:s18+$0x1A40]  }
0xd5: {  	v11 =	vld [tilespmem:s18+$0x1A50]  }
0xd6: {  	v12 =	vld [tilespmem:s18+$0x1A60]  }
0xd7: {  	v14 =	vld [tilespmem:s18+$0x1A70]  }
0xd8: {  	v5 =	vld [tilespmem:s18+$0x1A80]  }
0xd9: {  	v4 =	vld [tilespmem:s18+$0x1A90]  }
0xda: {  	v3 =	vld [tilespmem:s18+$0x1AA0]  }
0xdb: {  	v2 =	vld [tilespmem:s18+$0x1AB0]  }
0xdc: {  	v1 =	vld [tilespmem:s18+$0x1AC0]  }
0xdd: {  	v15 =	vld [tilespmem:s18+$0xB010]  }
0xde: {  	v13 =	vld [tilespmem:s18+$0xB000]  }
0xdf: {  	v16 =	vld [tilespmem:s18+$0xB020]  }
0xe0: {  	v0 =	vld [tilespmem:s18+$0x1AD0]  }
0xe1: {  	v18 =	vld [tilespmem:s18+$0xB040]  }
0xe2: {  	v17 =	vld [tilespmem:s18+$0xB030];
	v15 =	vmul.f32 $8.000000000e+00, v15  }
0xe3: {  	v19 =	vld [tilespmem:s18+$0xB050];
	v13 =	vmul.f32 $8.000000000e+00, v13  }
0xe4: {  	v20 =	vld [tilespmem:s18+$0xB060];
	v7 =	vadd.f32 v7, v15;
	v15 =	vmul.f32 $8.000000000e+00, v16  }
0xe5: {  	v6 =	vadd.f32 v6, v13;
	v13 =	vld [tilespmem:s18+$0xB070]  }
0xe6: {  	v21 =	vld [tilespmem:s18+$0xB080];
	v8 =	vadd.f32 v8, v15;
	v15 =	vmul.f32 $8.000000000e+00, v18  }
0xe7: {  	v62 =	vld [tilespmem:s18+$0xB090];
	v17 =	vmul.f32 $8.000000000e+00, v17;
	[tilespmem:s18+$0xB000] =	vst v6  }
0xe8: {  	v63 =	vmul.f32 $8.000000000e+00, v19;
	[tilespmem:s18+$0xB010] =	vst v7;
	v6 =	vld [tilespmem:s18+$0xB0A0];
	v10 =	vadd.f32 v10, v15  }
0xe9: {  	v9 =	vadd.f32 v9, v17;
	v7 =	vld [tilespmem:s18+$0xB0B0];
	[tilespmem:s18+$0xB020] =	vst v8;
	v15 =	vmul.f32 $8.000000000e+00, v20  }
0xea: {  	v11 =	vadd.f32 v11, v63;
	v8 =	vld [tilespmem:s18+$0xB0C0];
	[tilespmem:s18+$0xB040] =	vst v10;
	v10 =	vmul.f32 $8.000000000e+00, v13  }
0xeb: {  	[tilespmem:s18+$0xB030] =	vst v9;
	v9 =	vld [tilespmem:s18+$0xB0D0];
	v12 =	vadd.f32 v12, v15;
	v13 =	vmul.f32 $8.000000000e+00, v21  }
0xec: {  	s15 =	sor.u32 $0x2, s15;
	s19 =	simm.s32 $0x400;
	[tilespmem:s18+$0xB050] =	vst v11;
	v11 =	vmul.f32 $8.000000000e+00, v62;
	v14 =	vadd.f32 v14, v10;
	v10 =	vld [tilespmem:s18+$0xB0E0]  }
.LBB2_7:
0xed: {  	p1 =	sne.s32 s19, $0xC400;
	[tilespmem:s18+$0xB060] =	vst v12;
	v5 =	vadd.f32 v5, v13;
	v6 =	vmul.f32 $8.000000000e+00, v6;
	v12 =	vld [tilespmem:s18+$0xB0F0]  }
0xee: {  	[tilespmem:s18+$0xB070] =	vst v14;
	v4 =	vadd.f32 v4, v11;
	v7 =	vmul.f32 $8.000000000e+00, v7;
	v11 =	vld [tilespmem:s18+$0x1AE0]  }
0xef: {  	s21 =	sshra.s32 s19, $0x2;
	[tilespmem:s18+$0xB080] =	vst v5;
	v3 =	vadd.f32 v3, v6;
	v5 =	vmul.f32 $8.000000000e+00, v8;
	v6 =	vld [tilespmem:s18+$0x1AF0]  }
0xf0: {  	v8 =	vld [tilespmem:s21+$0x1A00];
	[tilespmem:s18+$0xB090] =	vst v4;
	v2 =	vadd.f32 v2, v7;
	v4 =	vmul.f32 $8.000000000e+00, v9  }
0xf1: {  	v7 =	vld [tilespmem:s21+$0x1A10];
	[tilespmem:s18+$0xB0A0] =	vst v3;
	v1 =	vadd.f32 v1, v5;
	v3 =	vmul.f32 $8.000000000e+00, v10  }
0xf2: {  	v9 =	vld [tilespmem:s21+$0x1A20];
	[tilespmem:s18+$0xB0B0] =	vst v2;
	v0 =	vadd.f32 v0, v4;
	v2 =	vmul.f32 $8.000000000e+00, v12  }
0xf3: {  	v10 =	vld [tilespmem:s21+$0x1A30];
	[tilespmem:s18+$0xB0C0] =	vst v1;
	v1 =	vadd.f32 v11, v3  }
0xf4: {  	v11 =	vld [tilespmem:s21+$0x1A40];
	[tilespmem:s18+$0xB0D0] =	vst v0;
	v0 =	vadd.f32 v6, v2  }
0xf5: {  	v12 =	vld [tilespmem:s21+$0x1A50];
	[tilespmem:s18+$0xB0E0] =	vst v1  }
0xf6: {  	v13 =	vld [tilespmem:s21+$0x1A60];
	[tilespmem:s18+$0xB0F0] =	vst v0;
	s18 =	smov.u32 s21  }
0xf7: {  	v14 =	vld [tilespmem:s18+$0x1A70]  }
0xf8: {  	v5 =	vld [tilespmem:s18+$0x1A80]  }
0xf9: {  	v4 =	vld [tilespmem:s18+$0x1A90]  }
0xfa: {  	v3 =	vld [tilespmem:s18+$0x1AA0]  }
0xfb: {  	v2 =	vld [tilespmem:s18+$0x1AB0]  }
0xfc: {  	v1 =	vld [tilespmem:s18+$0x1AC0]  }
0xfd: {  	v0 =	vld [tilespmem:s18+$0x1AD0]  }
0xfe: {  	v6 =	vld [tilespmem:s18+$0xB000]  }
0xff: {  	v15 =	vld [tilespmem:s18+$0xB010]  }
0x100: {  	v16 =	vld [tilespmem:s18+$0xB020]  }
0x101: {  	v17 =	vld [tilespmem:s18+$0xB030]  }
0x102: {  	v18 =	vld [tilespmem:s18+$0xB040]  }
0x103: {  	v6 =	vmul.f32 $8.000000000e+00, v6;
	v19 =	vld [tilespmem:s18+$0xB050]  }
0x104: {  	v15 =	vmul.f32 $8.000000000e+00, v15;
	v20 =	vld [tilespmem:s18+$0xB060]  }
0x105: {  	v6 =	vadd.f32 v8, v6;
	v8 =	vmul.f32 $8.000000000e+00, v16;
	v16 =	vld [tilespmem:s18+$0xB070]  }
0x106: {  	v7 =	vadd.f32 v7, v15;
	v15 =	vmul.f32 $8.000000000e+00, v17;
	v17 =	vld [tilespmem:s18+$0xB080]  }
0x107: {  	[tilespmem:s18+$0xB000] =	vst v6;
	v8 =	vadd.f32 v9, v8;
	v9 =	vmul.f32 $8.000000000e+00, v18;
	v18 =	vld [tilespmem:s18+$0xB090]  }
.Ltmp2:
0x108: {  	[tilespmem:s18+$0xB010] =	vst v7;
	v10 =	vadd.f32 v10, v15;
	v15 =	vmul.f32 $8.000000000e+00, v19;
	v6 =	vld [tilespmem:s18+$0xB0A0];
	(pc) =	sbr.rel @p1 .LBB2_7-.Ltmp2, $4  }
0x109: {  	[tilespmem:s18+$0xB020] =	vst v8;
	v9 =	vadd.f32 v11, v9;
	v11 =	vmul.f32 $8.000000000e+00, v20;
	v7 =	vld [tilespmem:s18+$0xB0B0]  }
0x10a: {  	[tilespmem:s18+$0xB030] =	vst v10;
	v10 =	vadd.f32 v12, v15;
	v15 =	vmul.f32 $8.000000000e+00, v16;
	v8 =	vld [tilespmem:s18+$0xB0C0]  }
0x10b: {  	[tilespmem:s18+$0xB040] =	vst v9;
	v12 =	vadd.f32 v13, v11;
	v13 =	vmul.f32 $8.000000000e+00, v17;
	v9 =	vld [tilespmem:s18+$0xB0D0]  }
0x10c: {  	s19 =	sadd.s32 $0x400, s19;
	[tilespmem:s18+$0xB050] =	vst v10;
	v14 =	vadd.f32 v14, v15;
	v11 =	vmul.f32 $8.000000000e+00, v18;
	v10 =	vld [tilespmem:s18+$0xB0E0]  }
0x10d: {  	[tilespmem:s18+$0xB060] =	vst v12;
	v12 =	vld [tilespmem:s18+$0xB0F0];
	v5 =	vadd.f32 v5, v13;
	v6 =	vmul.f32 $8.000000000e+00, v6  }
0x10e: {  	v13 =	vld [tilespmem:s18+$0x1AE0];
	[tilespmem:s18+$0xB070] =	vst v14;
	v4 =	vadd.f32 v4, v11;
	v7 =	vmul.f32 $8.000000000e+00, v7  }
0x10f: {  	[tilespmem:s18+$0xB080] =	vst v5;
	v3 =	vadd.f32 v3, v6;
	v5 =	vmul.f32 $8.000000000e+00, v8;
	v6 =	vld [tilespmem:s18+$0x1AF0]  }
0x110: {  	[tilespmem:s18+$0xB090] =	vst v4;
	v2 =	vadd.f32 v2, v7;
	v4 =	vmul.f32 $8.000000000e+00, v9  }
0x111: {  	[tilespmem:s18+$0xB0A0] =	vst v3;
	v1 =	vadd.f32 v1, v5;
	v3 =	vmul.f32 $8.000000000e+00, v10  }
0x112: {  	[tilespmem:s18+$0xB0B0] =	vst v2;
	v0 =	vadd.f32 v0, v4;
	v2 =	vmul.f32 $8.000000000e+00, v12  }
0x113: {  	s15 =	sadd.s32 s3, s15;
	[tilespmem:s18+$0xB0C0] =	vst v1;
	v1 =	vadd.f32 v13, v3  }
0x114: {  	s15 =	smul.u32 $0x640, s15;
	[tilespmem:s18+$0xB0D0] =	vst v0;
	v0 =	vadd.f32 v6, v2  }
0x115: {  	[tilespmem:s18+$0xB0E0] =	vst v1  }
0x116: {  	s15 =	sadd.s32 s2, s15;
	[tilespmem:s18+$0xB0F0] =	vst v0  }
0x117: {  	[hbm4b:s15+s4] =	stream.linear.scatter [tilespmem:s20], [sflag:$0x7], $0x3200, $0x38;
	[tilespmem:$0x11400] =	vst v63  }
0x118: {  	s15 =	simm.s32 @!p0 $0x7  }
0x119: {  	_ =	swait.ge @!p0 [sflag:s15], $0x3200  }
0x11a: {  	s19 =	simm.s32 @!p0 $0xB000;
	[sflag:s15] =	ssyncset.done @!p0 $0x0  }
0x11b: {  	s18 =	simm.s32 @!p0 $0x64;
	[sflag:s15] =	ssyncadd.s32 @!p0 $0xFFFFCE00;
	s15 =	sadd.s32 @!p0 $0x4E0, s17  }
0x11c: {  	[tilespmem:s19], [sflag:$0x3] =	stream.indirect.gather @!p0 [hbm4b:s5+s18], $0x40, s15, s18, $0xb8;
	[tilespmem:$0x11400] =	vst v63  }
0x11d: {  	s15 =	sadd.s32 @!p0 $0x548, s17;
	s17 =	simm.s32 @!p0 $0xC900  }
0x11e: {  	[tilespmem:s17], [sflag:$0x3] =	stream.indirect.gather @!p0 [hbm4b:s5+s18], $0x40, s15, s18, $0xb8;
	[tilespmem:$0x11400] =	vst v63  }
0x11f: {  	_ =	swait.ge [sflag:s29], $0x3200  }
0x120: {  	[sflag:s29] =	ssyncset.done $0x0  }
0x121: {  	s15 =	simm.s32 $0x0;
	[sflag:s29] =	ssyncadd.s32 $0xFFFFCE00  }
0x122: {  	v6 =	vld [tilespmem:s15+$0x1A00]  }
0x123: {  	v7 =	vld [tilespmem:s15+$0x1A10]  }
0x124: {  	v8 =	vld [tilespmem:s15+$0x1A20]  }
0x125: {  	v9 =	vld [tilespmem:s15+$0x1A30]  }
0x126: {  	v10 =	vld [tilespmem:s15+$0x1A40]  }
0x127: {  	v11 =	vld [tilespmem:s15+$0x1A50]  }
0x128: {  	v12 =	vld [tilespmem:s15+$0x1A60]  }
0x129: {  	v14 =	vld [tilespmem:s15+$0x1A70]  }
0x12a: {  	v5 =	vld [tilespmem:s15+$0x1A80]  }
0x12b: {  	v4 =	vld [tilespmem:s15+$0x1A90]  }
0x12c: {  	v3 =	vld [tilespmem:s15+$0x1AA0]  }
0x12d: {  	v2 =	vld [tilespmem:s15+$0x1AB0]  }
0x12e: {  	v1 =	vld [tilespmem:s15+$0x1AC0]  }
0x12f: {  	v15 =	vld [tilespmem:s15+$0xE210]  }
0x130: {  	v13 =	vld [tilespmem:s15+$0xE200]  }
0x131: {  	v16 =	vld [tilespmem:s15+$0xE220]  }
0x132: {  	v0 =	vld [tilespmem:s15+$0x1AD0]  }
0x133: {  	v18 =	vld [tilespmem:s15+$0xE240]  }
0x134: {  	v17 =	vld [tilespmem:s15+$0xE230];
	v15 =	vmul.f32 $8.000000000e+00, v15  }
0x135: {  	v19 =	vld [tilespmem:s15+$0xE250];
	v13 =	vmul.f32 $8.000000000e+00, v13  }
0x136: {  	v20 =	vld [tilespmem:s15+$0xE260];
	v7 =	vadd.f32 v7, v15;
	v15 =	vmul.f32 $8.000000000e+00, v16  }
0x137: {  	v6 =	vadd.f32 v6, v13;
	v13 =	vld [tilespmem:s15+$0xE270]  }
0x138: {  	v21 =	vld [tilespmem:s15+$0xE280];
	v8 =	vadd.f32 v8, v15;
	v15 =	vmul.f32 $8.000000000e+00, v18  }
0x139: {  	v62 =	vld [tilespmem:s15+$0xE290];
	v17 =	vmul.f32 $8.000000000e+00, v17;
	[tilespmem:s15+$0xE200] =	vst v6  }
0x13a: {  	v63 =	vmul.f32 $8.000000000e+00, v19;
	[tilespmem:s15+$0xE210] =	vst v7;
	v6 =	vld [tilespmem:s15+$0xE2A0];
	v10 =	vadd.f32 v10, v15  }
0x13b: {  	v9 =	vadd.f32 v9, v17;
	v7 =	vld [tilespmem:s15+$0xE2B0];
	[tilespmem:s15+$0xE220] =	vst v8;
	v15 =	vmul.f32 $8.000000000e+00, v20  }
0x13c: {  	v11 =	vadd.f32 v11, v63;
	v8 =	vld [tilespmem:s15+$0xE2C0];
	[tilespmem:s15+$0xE240] =	vst v10;
	v10 =	vmul.f32 $8.000000000e+00, v13  }
0x13d: {  	[tilespmem:s15+$0xE230] =	vst v9;
	v9 =	vld [tilespmem:s15+$0xE2D0];
	v12 =	vadd.f32 v12, v15;
	v13 =	vmul.f32 $8.000000000e+00, v21  }
0x13e: {  	s17 =	simm.s32 $0x400;
	[tilespmem:s15+$0xE250] =	vst v11;
	v11 =	vmul.f32 $8.000000000e+00, v62;
	v14 =	vadd.f32 v14, v10;
	v10 =	vld [tilespmem:s15+$0xE2E0]  }
.LBB2_9:
0x13f: {  	p0 =	sne.s32 s17, $0xC400;
	[tilespmem:s15+$0xE260] =	vst v12;
	v5 =	vadd.f32 v5, v13;
	v6 =	vmul.f32 $8.000000000e+00, v6;
	v12 =	vld [tilespmem:s15+$0xE2F0]  }
0x140: {  	[tilespmem:s15+$0xE270] =	vst v14;
	v4 =	vadd.f32 v4, v11;
	v7 =	vmul.f32 $8.000000000e+00, v7;
	v11 =	vld [tilespmem:s15+$0x1AE0]  }
0x141: {  	s18 =	sshra.s32 s17, $0x2;
	[tilespmem:s15+$0xE280] =	vst v5;
	v3 =	vadd.f32 v3, v6;
	v5 =	vmul.f32 $8.000000000e+00, v8;
	v6 =	vld [tilespmem:s15+$0x1AF0]  }
0x142: {  	v8 =	vld [tilespmem:s18+$0x1A00];
	[tilespmem:s15+$0xE290] =	vst v4;
	v2 =	vadd.f32 v2, v7;
	v4 =	vmul.f32 $8.000000000e+00, v9  }
0x143: {  	v7 =	vld [tilespmem:s18+$0x1A10];
	[tilespmem:s15+$0xE2A0] =	vst v3;
	v1 =	vadd.f32 v1, v5;
	v3 =	vmul.f32 $8.000000000e+00, v10  }
0x144: {  	v9 =	vld [tilespmem:s18+$0x1A20];
	[tilespmem:s15+$0xE2B0] =	vst v2;
	v0 =	vadd.f32 v0, v4;
	v2 =	vmul.f32 $8.000000000e+00, v12  }
0x145: {  	v10 =	vld [tilespmem:s18+$0x1A30];
	[tilespmem:s15+$0xE2C0] =	vst v1;
	v1 =	vadd.f32 v11, v3  }
0x146: {  	v11 =	vld [tilespmem:s18+$0x1A40];
	[tilespmem:s15+$0xE2D0] =	vst v0;
	v0 =	vadd.f32 v6, v2  }
0x147: {  	v12 =	vld [tilespmem:s18+$0x1A50];
	[tilespmem:s15+$0xE2E0] =	vst v1  }
0x148: {  	v13 =	vld [tilespmem:s18+$0x1A60];
	[tilespmem:s15+$0xE2F0] =	vst v0;
	s15 =	smov.u32 s18  }
0x149: {  	v14 =	vld [tilespmem:s15+$0x1A70]  }
0x14a: {  	v5 =	vld [tilespmem:s15+$0x1A80]  }
0x14b: {  	v4 =	vld [tilespmem:s15+$0x1A90]  }
0x14c: {  	v3 =	vld [tilespmem:s15+$0x1AA0]  }
0x14d: {  	v2 =	vld [tilespmem:s15+$0x1AB0]  }
0x14e: {  	v1 =	vld [tilespmem:s15+$0x1AC0]  }
0x14f: {  	v0 =	vld [tilespmem:s15+$0x1AD0]  }
0x150: {  	v6 =	vld [tilespmem:s15+$0xE200]  }
0x151: {  	v15 =	vld [tilespmem:s15+$0xE210]  }
0x152: {  	v16 =	vld [tilespmem:s15+$0xE220]  }
0x153: {  	v17 =	vld [tilespmem:s15+$0xE230]  }
0x154: {  	v18 =	vld [tilespmem:s15+$0xE240]  }
0x155: {  	v6 =	vmul.f32 $8.000000000e+00, v6;
	v19 =	vld [tilespmem:s15+$0xE250]  }
0x156: {  	v15 =	vmul.f32 $8.000000000e+00, v15;
	v20 =	vld [tilespmem:s15+$0xE260]  }
0x157: {  	v6 =	vadd.f32 v8, v6;
	v8 =	vmul.f32 $8.000000000e+00, v16;
	v16 =	vld [tilespmem:s15+$0xE270]  }
0x158: {  	v7 =	vadd.f32 v7, v15;
	v15 =	vmul.f32 $8.000000000e+00, v17;
	v17 =	vld [tilespmem:s15+$0xE280]  }
0x159: {  	[tilespmem:s15+$0xE200] =	vst v6;
	v8 =	vadd.f32 v9, v8;
	v9 =	vmul.f32 $8.000000000e+00, v18;
	v18 =	vld [tilespmem:s15+$0xE290]  }
.Ltmp3:
0x15a: {  	[tilespmem:s15+$0xE210] =	vst v7;
	v10 =	vadd.f32 v10, v15;
	v15 =	vmul.f32 $8.000000000e+00, v19;
	v6 =	vld [tilespmem:s15+$0xE2A0];
	(pc) =	sbr.rel @p0 .LBB2_9-.Ltmp3, $4  }
0x15b: {  	[tilespmem:s15+$0xE220] =	vst v8;
	v9 =	vadd.f32 v11, v9;
	v11 =	vmul.f32 $8.000000000e+00, v20;
	v7 =	vld [tilespmem:s15+$0xE2B0]  }
0x15c: {  	[tilespmem:s15+$0xE230] =	vst v10;
	v10 =	vadd.f32 v12, v15;
	v15 =	vmul.f32 $8.000000000e+00, v16;
	v8 =	vld [tilespmem:s15+$0xE2C0]  }
0x15d: {  	[tilespmem:s15+$0xE240] =	vst v9;
	v12 =	vadd.f32 v13, v11;
	v13 =	vmul.f32 $8.000000000e+00, v17;
	v9 =	vld [tilespmem:s15+$0xE2D0]  }
0x15e: {  	s17 =	sadd.s32 $0x400, s17;
	[tilespmem:s15+$0xE250] =	vst v10;
	v14 =	vadd.f32 v14, v15;
	v11 =	vmul.f32 $8.000000000e+00, v18;
	v10 =	vld [tilespmem:s15+$0xE2E0]  }
0x15f: {  	[tilespmem:s15+$0xE260] =	vst v12;
	v55 =	vld [tilespmem:s15+$0xE2F0];
	v5 =	vadd.f32 v5, v13;
	v6 =	vmul.f32 $8.000000000e+00, v6  }
0x160: {  	v56 =	vld [tilespmem:s15+$0x1AE0];
	[tilespmem:s15+$0xE270] =	vst v14;
	v4 =	vadd.f32 v4, v11;
	v7 =	vmul.f32 $8.000000000e+00, v7  }
0x161: {  	v58 =	vld [tilespmem:s15+$0x1AF0];
	[tilespmem:s15+$0xE280] =	vst v5;
	v3 =	vadd.f32 v3, v6;
	v57 =	vmul.f32 $8.000000000e+00, v8  }
0x162: {  	[tilespmem:s15+$0xE290] =	vst v4;
	v2 =	vadd.f32 v2, v7;
	v59 =	vmul.f32 $8.000000000e+00, v9  }
0x163: {  	s13 =	sadd.s32 $0x1, s13;
	[tilespmem:s15+$0xE2A0] =	vst v3;
	v1 =	vadd.f32 v1, v57;
	v60 =	vmul.f32 $8.000000000e+00, v10  }
0x164: {  	p0 =	sne.s32 s13, $0x8;
	[tilespmem:s15+$0xE2B0] =	vst v2;
	v0 =	vadd.f32 v0, v59;
	v61 =	vmul.f32 $8.000000000e+00, v55  }
.Ltmp4:
0x165: {  	s14 =	sadd.s32 s3, s14;
	[tilespmem:s15+$0xE2C0] =	vst v1;
	v62 =	vadd.f32 v56, v60;
	(pc) =	sbr.rel @p0 .LBB2_2-.Ltmp4, $4  }
0x166: {  	s14 =	smul.u32 $0x640, s14;
	[tilespmem:s15+$0xE2D0] =	vst v0;
	v63 =	vadd.f32 v58, v61  }
0x167: {  	[tilespmem:s15+$0xE2E0] =	vst v62  }
0x168: {  	s14 =	sadd.s32 s2, s14;
	[tilespmem:s15+$0xE2F0] =	vst v63  }
0x169: {  	[hbm4b:s14+s4] =	stream.linear.scatter [tilespmem:s23], [sflag:$0x8], $0x3200, $0x38;
	[tilespmem:$0x11400] =	vst v63  }
0x16a: {  	_ =	swait.ge [sflag:s30], $0x3200  }
0x16b: {  	[sflag:s30] =	ssyncset.done $0x0  }
0x16c: {  	[sflag:s30] =	ssyncadd.s32 $0xFFFFCE00  }
0x16d: {  	_ =	swait.ge [sflag:s31], $0x3200  }
0x16e: {  	[sflag:s31] =	ssyncset.done $0x0  }
0x16f: {  	s9 =	sadd.s32 $0x1, s9;
	[sflag:s31] =	ssyncadd.s32 $0xFFFFCE00  }
0x170: {  	p0 =	sne.s32 s9, s8;
	_ =	swait.ge [sflag:s1], $0x3200  }
.Ltmp5:
0x171: {  	[sflag:s1] =	ssyncset.done $0x0;
	(pc) =	sbr.rel @p0 .LBB2_1-.Ltmp5, $4  }
0x172: {  	[sflag:s1] =	ssyncadd.s32 $0xFFFFCE00  }
0x173: {  	_ =	swait.ge [sflag:s0], $0x3200  }
0x174: {  	[sflag:s0] =	ssyncset.done $0x0  }
0x175: {  	[sflag:s0] =	ssyncadd.s32 $0xFFFFCE00  }
0x176: {  	_ =	sfence.sel $0x180000  }
0x177: {  	[bflag:$0x0] =	sbarrier.arrive $0xFFFF  }
0x178: {  	_ =	strace $0x90000047  }
0x179: {  	s0 =	stileid.u32;
	[bflag:$0x2] =	sbarrier.arrive $0xFFFF  }
0x17a: {  	p0 =	sne.s32 s0, $0x0;
	s0 =	rddreg [dreg:$0x2]  }
0x17b: {  	s0 =	sadd.s32 @!p0 $0x100000, s0  }
0x17c: {  	[sflag:s0] =	ssyncadd.tile.s32 @!p0 $0x1;
	_ =	shalt  }
.Lfunc_end2:
_tile_overlayer_lowered:
.L_overlay_start_2:
0x17d: {  	(tag) =	ssettag $0x2  }
0x17e: {  	s0 =	rddreg [dreg:$0x0];
	s2 =	stileid.u32  }
0x17f: {  	s1 =	rddreg [dreg:$0x1];
	p0 =	sne.s32 s2, $0x0  }
0x180: {  	s3 =	rddreg [dreg:$0x2];
	[bflag:$0x3] =	sbarrier.arrive $0xFFFF;
	s2 =	simm.s32 @!p0 $0x1C09  }
0x181: {  	[timem:s3], [sflag:s2] =	dma.local @!p0 [hbm:s0], s1  }
0x182: {  	s0 =	simm.s32 @!p0 $0x9  }
0x183: {  	_ =	swait.ge @!p0 [sflag:s0], s1  }
0x184: {  	s1 =	ssub.s32 @!p0 $0x0, s1;
	[sflag:s0] =	ssyncset.done @!p0 $0x0  }
0x185: {  	[sflag:s0] =	ssyncadd.s32 @!p0 s1  }
0x186: {  	[bflag:$0x3] =	sbarrier.arrive $0xFFFF  }
0x187: {  	_ =	shalt  }

// kernel: sparse-core-data-format-call.cloned.1.call-start
scs
called_computation_lowered:
.L_overlay_start_0:
0x0: {  	s2 =	sld [smem:$0x3FD9]  }
0x1: {  	s3 =	sld [smem:$0x3FFE];
	_ =	sdelay $0x1  }
0x2: {  	s1 =	srdreg.scid  }
0x3: {  	s0 =	sand.u32 $0x1, s1  }
0x4: {  	s18 =	sshll.u32 s0, $0xA;
	s2 =	sadd.s32 s3, s2  }
0x5: {  	s2 =	sadd.s32 s2, s18  }
0x6: {  	[smem:$0x3FC5] =	sst s2  }
0x7: {  	_ = 	snop  }
0x8: {  	s2 =	sld [smem:$0x3FD0];
	(tm) =	ssettm $0x1  }
0x9: {  	s19 =	sld [smem:$0x3FFB];
	_ =	sdelay $0x3  }
0xa: {  	_ =	strace s19  }
0xb: {  	s3 =	sld [smem:$0x3FFC];
	_ =	sdelay $0x3  }
0xc: {  	_ =	strace s3  }
0xd: {  	s3 =	sld [smem:$0x3FFD];
	_ =	sdelay $0x3  }
0xe: {  	_ =	strace s3  }
0xf: {  	_ =	strace $0x8FFFFFFF  }
0x10: {  	s20 =	sld [smem:$0x3FDB];
	_ =	sdelay $0x1  }
0x11: {  	s4 =	simm.s32 $_scs_section_size  }
0x12: {  	s5 =	simm.s32 $_size__tile_overlayer_lowered;
	s6 =	simm.s32 $_tile_overlayer_lowered  }
0x13: {  	s23 =	simm.s32 $0x1BFF;
	s22 =	sshll.u32 s6, $0x1;
	s3 =	sadd.s32 s4, s20  }
0x14: {  	s7 =	simm.s32 $0x0;
	s21 =	sshll.u32 s5, $0x1;
	s5 =	sadd.s32 s22, s3  }
0x15: {  	[timem:s7], [sflag:s23] =	dma.local [hbm:s5], s21  }
0x16: {  	_ =	swait.ge [sflag:s23], s21  }
0x17: {  	s4 =	ssub.s32 $0x0, s21;
	[sflag:s23] =	ssyncset.done $0x0  }
0x18: {  	[sflag:s23] =	ssyncadd.s32 s4;
	_ =	sdelay $0x1  }
0x19: {  	s24 =	simm.s32 $0x1B8B  }
0x1a: {  	_ =	swait.ge [sflag:s24], $0x1  }
0x1b: {  	[sflag:s24] =	ssyncset.done $0x0  }
0x1c: {  	s26 =	simm.s32 $0x1B8E;
	s25 =	sld [smem:$0x3FFE];
	[sflag:s24] =	ssyncadd.s32 $0xFFFFFFFF  }
0x1d: {  	s27 =	simm.s32 $execute0_lowered;
	[smem:$0x3FD2] =	sst s26  }
0x1e: {  	s5 =	sshll.u32 s27, $0x1;
	_ =	strace $0x80000049;
	[dreg:$0x1] =	wrdreg $0xFFFFFFFF  }
0x1f: {  	s28 =	simm.s32 $_size_execute0_lowered;
	s3 =	sadd.s32 s3, s5;
	[dreg:$0x0] =	wrdreg $0x0  }
0x20: {  	s5 =	sshll.u32 s28, $0x1;
	[dreg:$0x2] =	wrdreg s3  }
0x21: {  	[dreg:$0x3] =	wrdreg s5  }
0x22: {  	[dreg:$0x4] =	wrdreg $0xC0  }
0x23: {  	_ =	task [dreg:s7], $0x5FFFF  }
0x24: {  	[dreg:$0x1] =	wrdreg $0xFFFFFFFF  }
0x25: {  	[dreg:$0x0] =	wrdreg $0x60  }
0x26: {  	[dreg:$0x2] =	wrdreg s25  }
0x27: {  	[dreg:$0x3] =	wrdreg s2  }
0x28: {  	[dreg:$0x4] =	wrdreg $0x9  }
0x29: {  	_ =	task.clear_ibuf [dreg:s7], $0x5FFFF;
	_ =	strace $0x90000049  }
0x2a: {  	s29 =	simm.s32 $0x9;
	_ =	strace $0x8000004B  }
0x2b: {  	_ =	swait.ge [sflag:s29], $0x1  }
0x2c: {  	[sflag:s29] =	ssyncadd.s32 $0xFFFFFFFF  }
0x2d: {  	_ =	strace $0x9000004B  }
0x2e: {  	_ =	sfence  }
0x2f: {  	s30 =	sld [smem:$0x0];
	_ =	sdelay $0x2  }
0x30: {  	s31 =	sshll.u32 s1, $0xD;
	s1 =	sshrl.u32 s1, $0x2  }
0x31: {  	s3 =	sand.u32 $0x4000, s31;
	s1 =	sadd.s32 s1, s30  }
0x32: {  	s0 =	sor.u32 s3, s0;
	s1 =	sshll.u32 s1, $0x11  }
0x33: {  	s0 =	sor.u32 s1, s0  }
0x34: {  	s0 =	sadd.s32 $0x8F2B, s0  }
0x35: {  	[sflag:s0] =	ssyncadd.remote.s32 $0x1  }
0x36: {  	_ =	sfence.sel $0xFFFF  }
0x37: {  	[dreg:$0x0] =	wrdreg $0xFFFFFFFF;
	(pc) =	sbr.abs _section_cstart, $3  }
0x38: {  	[dreg:$0x1] =	wrdreg $0xFFFFFFFF  }
0x39: {  	_ =	task.clear_ibuf [dreg:s7], $0x2FFFF;
	_ =	strace $0x9FFFFFFF  }
0x3a: {  	(tm) =	ssettm $0x7FFFFFFF  }
0x3b: {  	_ =	shalt  }
tec
execute0_lowered:
.L_overlay_start_1:
0x0: {  	(tag) =	ssettag $0x1  }
0x1: {  	s0 =	stileid.u32;
	s6 =	rddreg [dreg:$0x0]  }
0x2: {  	s2 =	rddreg [dreg:$0x1];
	s5 =	srdreg.scid  }
0x3: {  	s31 =	simm.s32 $0x2;
	s13 =	simm.s32 $0x0;
	s1 =	sshll.u32 s0, $0x7  }
0x4: {  	s14 =	simm.s32 $0x0;
	s12 =	simm.s32 $0x0;
	s3 =	sand.u32 $0x380, s1  }
0x5: {  	s5 =	sshll.u32 s5, $0x4;
	s6 =	sadd.s32 $0x800, s6;
	s4 =	ssub.s32 $0x400, s3  }
0x6: {  	s1 =	rddreg [dreg:$0x2];
	_ =	strace $0x8000004A;
	s7 =	sand.u32 $0x380, s4  }
0x7: {  	s5 =	sand.u32 $0x10, s5;
	p0 =	sne.s32 s7, $0x0;
	s7 =	simm.s32 $0x1  }
.Ltmp0:
0x8: {  	s8 =	sshrl.u32 s4, $0xA;
	s7 =	simm.s32 @!p0 $0x0;
	(pc) =	sbr.rel .LBB1_1-.Ltmp0, $4  }
0x9: {  	s9 =	sor.u32 s0, s5;
	s4 =	simm.s32 $0x1;
	s30 =	sadd.s32 s7, s8  }
0xa: {  	s11 =	smov.u32 s3;
	[sflag:s4] =	ssyncpa.u1 $0x0;
	s5 =	smul.u32 $0x32, s30  }
0xb: {  	[sflag:s31] =	ssyncpa.u1 $0x0;
	p0 =	por $0x0, $0x0;
	s7 =	sshrl.u32 s9, $0x3  }
0xc: {  	s9 =	simm.s32 $0x2000;
	s10 =	smov.u32 s7;
	s8 =	sor.u32 $0x1, s5  }
.LBB1_4:
0xd: {  	s17 =	sand.u32 $0x1F80, s14;
	s13 =	sshll.u32 s13, $0xD  }
0xe: {  	[tilespmem:s16+$0x810 ss:$0x81] =	vst.msk $0xffff, v2;
	s18 =	sshrl.u32 s14, $0x3;
	s31 =	sand.u32 $0x7, s14;
	s17 =	sadd.s32 s2, s17  }
0xf: {  	[tilespmem:s16+$0x1020 ss:$0x81] =	vst.msk $0xffff, v0;
	s18 =	sand.u32 $0xF, s18;
	s14 =	sshll.u32 s31, $0x12;
	s13 =	sadd.s32 s13, s17  }
0x10: {  	[tilespmem:s16+$0x0 ss:$0x81] =	vst.msk $0xffff, v1;
	s14 =	sor.u32 $0x400, s14;
	s13 =	sadd.s32 s18, s13  }
0x11: {  	[hbm4b:s13+s14] =	stream.strided.scatter [tilespmem:s15], [sflag:$0x2], $0x2000, s9, s14, $0x20;
	[tilespmem:$0x8080] =	vst v63  }
.LBB1_5:
0x12: {  	s15 =	sadd.s32 $0x4, s10  }
0x13: {  	s13 =	sadd.s32 $0x400, s11;
	s17 =	smov.u32 s11;
	p2 =	sgt.s32 s15, $0xC7  }
0x14: {  	s17 =	smov.u32 @p2 s13  }
0x15: {  	s15 =	smov.u32 @p2 s7;
	p2 =	sgt.s32 s17, $0x3FF  }
0x16: {  	s17 =	smov.u32 @p2 s3;
	p2 =	sne.s32 s12, s8  }
.Ltmp1:
0x17: {  	p1 =	slt.u32 s12, $0x2;
	(pc) =	sbr.rel @!p2 .LBB1_6-.Ltmp1, $4  }
0x18: {  	s16 =	simm.s32 @!p1 $0x2  }
0x19: {  	s14 =	smov.u32 s11;
	p0 =	por !p0, !p0;
	_ =	swait.ge @!p1 [sflag:s16], $0x2000  }
0x1a: {  	s13 =	smov.u32 s10;
	[sflag:s16] =	ssyncset.done @!p1 $0x0;
	s10 =	smov.u32 s15  }
0x1b: {  	s12 =	sadd.s32 $0x1, s12;
	[sflag:s16] =	ssyncadd.s32 @!p1 $0xFFFFE000;
	s11 =	smov.u32 s17  }
.LBB1_1:
0x1c: {  	p1 =	sge.u32 s12, s5  }
0x1d: {  	s15 =	sand.u32 @!p1 $0x1FFFFFF, s10  }
0x1e: {  	s16 =	smulhi.u32 @!p1 $0x147AE15, s15;
	_ =	sdelay $0x1  }
0x1f: {  	s16 =	smul.u32 @!p1 $0xC8, s16  }
0x20: {  	s17 =	sxor.u32 @!p1 $0xFFFFFFFF, s12;
	s18 =	smul.u32 @!p1 $0xC80, s11  }
0x21: {  	s31 =	sadd.s32 $0xFFFFFFFF, s12;
	s17 =	sshll.u32 @!p1 s17, $0xD;
	s15 =	ssub.s32 @!p1 s15, s16  }
0x22: {  	s16 =	sand.u32 @!p1 $0x2000, s17;
	s17 =	sadd.s32 @!p1 s6, s18;
	s15 =	sshll.u32 @!p1 s15, $0x4  }
0x23: {  	s18 =	simm.s32 @!p1 $0x6400;
	s15 =	sadd.s32 @!p1 s15, s17;
	s17 =	simm.s32 @!p1 $0x40  }
0x24: {  	[tilespmem:s16], [sflag:$0x1] =	stream.strided.gather @!p1 [hbm4b:s15+s17], $0x2000, s18, s17, $0x38;
	[tilespmem:$0x8080] =	vst v63  }
0x25: {  	p1 =	sge.u32 s31, s5  }
.Ltmp2:
0x26: {  	_ = 	snop;
	(pc) =	sbr.rel @p1 .LBB1_5-.Ltmp2, $1  }
0x27: {  	_ =	sdelay $0x3  }
0x28: {  	s15 =	simm.s32 $0x1  }
0x29: {  	_ =	swait.ge [sflag:s4], $0x2000;
	s15 =	simm.s32 @!p0 $0x0  }
0x2a: {  	[sflag:s4] =	ssyncset.done $0x0;
	s16 =	sshll.u32 s15, $0xD  }
0x2b: {  	[sflag:s4] =	ssyncadd.s32 $0xFFFFE000;
	s19 =	sor.u32 $0x20, s16  }
0x2c: {  	s15 =	smul.u32 $0x8100, s15;
	v3 =	vld [tilespmem:s19+$0x10]  }
0x2d: {  	s30 =	sand.u32 $0x1, s12;
	v2 =	vld [tilespmem:s19+$0xFFFFFFF0]  }
0x2e: {  	s16 =	smul.u32 $0x8100, s30;
	s15 =	sshrl.u32 s15, $0x2;
	v0 =	vld [tilespmem:s19+$0x0]  }
0x2f: {  	v1 =	vld [tilespmem:s19+$0xFFFFFFE0];
	s17 =	sor.u32 $0x4000, s15  }
0x30: {  	s31 =	sshrl.u32 s16, $0x2;
	s16 =	sadd.s32 $0x0, s17  }
0x31: {  	s18 =	simm.s32 $0x4;
	s19 =	sadd.s32 $0x40, s19;
	s15 =	sor.u32 $0x4000, s31;
	[tilespmem:s16+$0x1830 ss:$0x81] =	vst.msk $0xffff, v3  }
.LBB1_3:
0x32: {  	v3 =	vld [tilespmem:s19+$0x10];
	p1 =	sne.s32 s18, $0x1FC;
	[tilespmem:s16+$0x810 ss:$0x81] =	vst.msk $0xffff, v2;
	s20 =	smov.u32 s18;
	s18 =	sadd.s32 $0x4, s18  }
.Ltmp3:
0x33: {  	v2 =	vld [tilespmem:s19+$0xFFFFFFF0];
	[tilespmem:s16+$0x1020 ss:$0x81] =	vst.msk $0xffff, v0;
	(pc) =	sbr.rel @p1 .LBB1_3-.Ltmp3, $4  }
0x34: {  	v0 =	vld [tilespmem:s19+$0x0];
	[tilespmem:s16+$0x0 ss:$0x81] =	vst.msk $0xffff, v1  }
0x35: {  	s16 =	sshra.s32 s20, $0x2;
	v1 =	vld [tilespmem:s19+$0xFFFFFFE0]  }
0x36: {  	s16 =	sadd.s32 s16, s17  }
0x37: {  	s19 =	sadd.s32 $0x40, s19;
	[tilespmem:s16+$0x1830 ss:$0x81] =	vst.msk $0xffff, v3  }
.Ltmp4:
0x38: {  	_ = 	snop;
	(pc) =	sbr.rel .LBB1_4-.Ltmp4, $1  }
0x39: {  	_ =	sdelay $0x3  }
.LBB1_6:
0x3a: {  	_ =	sfence.sel $0x180000  }
0x3b: {  	s2 =	simm.s32 $0x1;
	[bflag:$0x0] =	sbarrier.arrive $0xFFFF  }
0x3c: {  	s31 =	simm.s32 $0x2;
	[sflag:s2] =	ssyncpa.u1 $0x1  }
0x3d: {  	[sflag:s31] =	ssyncpa.u1 $0x1  }
0x3e: {  	p0 =	sne.s32 s0, $0x0;
	_ =	strace $0x9000004A  }
0x3f: {  	s0 =	sadd.s32 @!p0 $0x100000, s1;
	[bflag:$0x2] =	sbarrier.arrive $0xFFFF  }
0x40: {  	[sflag:s0] =	ssyncadd.tile.s32 @!p0 $0x1;
	_ =	shalt  }
.Lfunc_end1:
_tile_overlayer_lowered:
.L_overlay_start_2:
0x41: {  	(tag) =	ssettag $0x2  }
0x42: {  	s0 =	rddreg [dreg:$0x0];
	s2 =	stileid.u32  }
0x43: {  	s1 =	rddreg [dreg:$0x1];
	p0 =	sne.s32 s2, $0x0  }
0x44: {  	s3 =	rddreg [dreg:$0x2];
	[bflag:$0x3] =	sbarrier.arrive $0xFFFF;
	s2 =	simm.s32 @!p0 $0x1C01  }
0x45: {  	[timem:s3], [sflag:s2] =	dma.local @!p0 [hbm:s0], s1  }
0x46: {  	s0 =	simm.s32 @!p0 $0x1  }
0x47: {  	_ =	swait.ge @!p0 [sflag:s0], s1  }
0x48: {  	s1 =	ssub.s32 @!p0 $0x0, s1;
	[sflag:s0] =	ssyncset.done @!p0 $0x0  }
0x49: {  	[sflag:s0] =	ssyncadd.s32 @!p0 s1  }
0x4a: {  	[bflag:$0x3] =	sbarrier.arrive $0xFFFF  }
0x4b: {  	_ =	shalt  }

</sc_bundles>
